<compile_context>
chip_gen: v7x
topology: tpu7x:2x2x1
jax: 0.10.2.dev20260603
libtpu: 0.0.44.dev20260713+nightly
codegen_flags: <defaults>
</compile_context>

<pallas_src>
import functools

import numpy as np
import jax
import jax.numpy as jnp
from jax import lax
from jax.experimental import pallas as pl
from jax.experimental.pallas import tpu as pltpu
from jax.experimental.pallas import tpu_sc as plsc

N_NODES = 10000
E = 160000
D_FEAT = 128
MUL = 32
H = 256
EPSILON = 0.25
CUTOFF = 2.0
F4 = 4 * MUL

_Rm = np.zeros((MUL, F4), np.float32)
_U3s = np.zeros((3, F4), np.float32)
_mask1 = np.zeros((1, F4), np.float32)
_Smat = np.zeros((F4, 2 * MUL), np.float32)
_B4 = np.zeros((F4, F4), np.float32)
for _i in range(MUL):
    _mask1[0, 4 * _i] = 1.0
    _Smat[4 * _i, _i] = 1.0
    for _k in range(4):
        _Rm[_i, 4 * _i + _k] = 1.0
        _B4[4 * _i, 4 * _i + _k] = 1.0
    for _c in range(3):
        _U3s[_c, 4 * _i + 1 + _c] = np.sqrt(3.0)
        _Smat[4 * _i + 1 + _c, MUL + _i] = 1.0 / np.sqrt(3.0)

_G_ROWS = np.array([4 * i + 1 + c for c in range(3) for i in range(MUL)])
_G_COLS = np.array([3 * o + c for c in range(3) for o in range(MUL)])

_P = 6
_C1 = (_P + 1.0) * (_P + 2.0) / 2.0
_C2 = _P * (_P + 2.0)
_C3 = _P * (_P + 1.0) / 2.0

_B1 = 3200


def _tc1_body(vt_ref, x_ref, w1r_ref, u3s_ref, m1_ref, msg_ref, env_ref):
    vt = vt_ref[...]
    yraw = lax.dot_general(vt, u3s_ref[...], (((0,), (0,)), ((), ())),
                           preferred_element_type=jnp.float32)
    l2 = jnp.sum(yraw * yraw, axis=1, keepdims=True) * (1.0 / 96.0)
    ln = jnp.sqrt(l2)
    rinv = 1.0 / (ln + 1e-9)
    yt = yraw * rinv + m1_ref[...]
    w4 = jnp.dot(x_ref[...], w1r_ref[...], preferred_element_type=jnp.float32)
    msg_ref[...] = w4 * yt
    dn = ln * (1.0 / CUTOFF)
    d2 = dn * dn
    d6 = d2 * d2 * d2
    env = jnp.where(dn < 1.0, 1.0 - _C1 * d6 + _C2 * d6 * dn - _C3 * d6 * d2, 0.0)
    env_ref[...] = env


def _tc1(vectors_t, x, w1r):
    grid = (E // _B1,)
    return pl.pallas_call(
        _tc1_body,
        grid=grid,
        in_specs=[
            pl.BlockSpec((3, _B1), lambda i: (0, i)),
            pl.BlockSpec((_B1, D_FEAT), lambda i: (i, 0)),
            pl.BlockSpec((D_FEAT, F4), lambda i: (0, 0)),
            pl.BlockSpec((3, F4), lambda i: (0, 0)),
            pl.BlockSpec((1, F4), lambda i: (0, 0)),
        ],
        out_specs=[
            pl.BlockSpec((_B1, F4), lambda i: (i, 0)),
            pl.BlockSpec((_B1, 1), lambda i: (i, 0)),
        ],
        out_shape=[
            jax.ShapeDtypeStruct((E, F4), jnp.float32),
            jax.ShapeDtypeStruct((E, 1), jnp.float32),
        ],
    )(vectors_t, x, w1r, jnp.asarray(_U3s), jnp.asarray(_mask1))


_CHUNK = 128
_NCHUNK = E // _CHUNK
_NC = 2
_NS = 16
_NW = _NC * _NS
_TRIPS = -(-_NCHUNK // _NW)
_NPAD = 10240
_STRIPE = _NPAD // _NS


def _load_all_idx(send_hbm, idx2d, sem_idx, wid):

    def ibody(t, carry):
        jc = jnp.minimum(wid + t * _NW, _NCHUNK - 1)
        pltpu.async_copy(send_hbm.at[pl.ds(jc * _CHUNK, _CHUNK)],
                         idx2d.at[t], sem_idx)
        return carry

    lax.fori_loop(0, _TRIPS, ibody, 0)

    def iwait(t, carry):
        pltpu.make_async_copy(send_hbm.at[pl.ds(0, _CHUNK)],
                              idx2d.at[t], sem_idx).wait()
        return carry

    lax.fori_loop(0, _TRIPS, iwait, 0)


def _sc_scatter_body(msg_hbm, send_hbm, zeros_hbm, table_hbm,
                     idx2d, rows_v, table_sh, sem_idx, sem_in):
    c = lax.axis_index("c")
    s = lax.axis_index("s")
    wid = s * _NC + c

    pltpu.sync_copy(zeros_hbm, rows_v.at[0])

    def zbody(q, carry):
        pltpu.sync_copy(rows_v.at[0],
                        table_sh.at[pl.ds(s * _STRIPE + q * _CHUNK, _CHUNK)])
        return carry

    lax.fori_loop(0, _STRIPE // _CHUNK, zbody, 0)
    _load_all_idx(send_hbm, idx2d, sem_idx, wid)
    plsc.subcore_barrier()

    def start_in(t):
        jc = jnp.minimum(wid + t * _NW, _NCHUNK - 1)
        pltpu.async_copy(msg_hbm.at[pl.ds(jc * _CHUNK, _CHUNK)],
                         rows_v.at[t % 2], sem_in)

    start_in(0)

    def body(t, carry):
        b = t % 2
        pltpu.make_async_copy(msg_hbm.at[pl.ds(0, _CHUNK)],
                              rows_v.at[b], sem_in).wait()

        @pl.when(t + 1 < _TRIPS)
        def _():
            start_in(t + 1)

        @pl.when(wid + t * _NW < _NCHUNK)
        def _():
            pltpu.sync_copy(rows_v.at[b], table_sh.at[idx2d.at[t]], add=True)

        return carry

    lax.fori_loop(0, _TRIPS, body, 0)
    plsc.subcore_barrier()

    def dbody(q, carry):
        pltpu.sync_copy(table_sh.at[pl.ds(s * _STRIPE + q * _CHUNK, _CHUNK)],
                        rows_v.at[0])
        pltpu.sync_copy(rows_v.at[0],
                        table_hbm.at[pl.ds(c * _NPAD + s * _STRIPE + q * _CHUNK,
                                           _CHUNK)])
        return carry

    lax.fori_loop(0, _STRIPE // _CHUNK, dbody, 0)


def _sc_scatter(msg, senders, zeros_stripe):
    mesh = plsc.VectorSubcoreMesh(core_axis_name="c", subcore_axis_name="s")
    f = functools.partial(
        pl.kernel,
        mesh=mesh,
        out_type=jax.ShapeDtypeStruct((_NC * _NPAD, F4), jnp.float32),
        scratch_types=[
            pltpu.VMEM((_TRIPS, _CHUNK), jnp.int32),
            pltpu.VMEM((2, _CHUNK, F4), jnp.float32),
            pltpu.VMEM_SHARED((_NPAD, F4), jnp.float32),
            pltpu.SemaphoreType.DMA,
            pltpu.SemaphoreType.DMA,
        ],
    )(_sc_scatter_body)
    return f(msg, senders, zeros_stripe)


def _sc_gather_body(table_hbm, send_hbm, wy_hbm, idx2d, rows_v,
                    sem_idx, sem_g, sem_s):
    c = lax.axis_index("c")
    s = lax.axis_index("s")
    wid = s * _NC + c
    _load_all_idx(send_hbm, idx2d, sem_idx, wid)

    def start_gather(t):
        pltpu.async_copy(table_hbm.at[idx2d.at[t]], rows_v.at[t % 2], sem_g)

    start_gather(0)

    def body(t, carry):
        b = t % 2
        pltpu.make_async_copy(table_hbm.at[idx2d.at[0]],
                              rows_v.at[b], sem_g).wait()

        @pl.when(t >= 1)
        def _():
            pltpu.make_async_copy(rows_v.at[1 - b],
                                  wy_hbm.at[pl.ds(0, _CHUNK)], sem_s).wait()

        @pl.when(t + 1 < _TRIPS)
        def _():
            start_gather(t + 1)

        @pl.when(wid + t * _NW < _NCHUNK)
        def _():
            base = (wid + t * _NW) * _CHUNK
            pltpu.async_copy(rows_v.at[b], wy_hbm.at[pl.ds(base, _CHUNK)], sem_s)

        return carry

    lax.fori_loop(0, _TRIPS, body, 0)

    @pl.when(wid + (_TRIPS - 1) * _NW < _NCHUNK)
    def _():
        pltpu.make_async_copy(rows_v.at[(_TRIPS - 1) % 2],
                              wy_hbm.at[pl.ds(0, _CHUNK)], sem_s).wait()


def _sc_gather(table, senders):
    mesh = plsc.VectorSubcoreMesh(core_axis_name="c", subcore_axis_name="s")
    f = functools.partial(
        pl.kernel,
        mesh=mesh,
        out_type=jax.ShapeDtypeStruct((E, F4), jnp.float32),
        scratch_types=[
            pltpu.VMEM((_TRIPS, _CHUNK), jnp.int32),
            pltpu.VMEM((2, _CHUNK, F4), jnp.float32),
            pltpu.SemaphoreType.DMA,
            pltpu.SemaphoreType.DMA,
            pltpu.SemaphoreType.DMA,
        ],
    )(_sc_gather_body)
    return f(table, senders)


_BN = 2048


def _tc2_body(a_ref, b_ref, o_ref):
    o_ref[...] = a_ref[...] + b_ref[...]


def _tc2(tables):
    nb = _NPAD // _BN
    return pl.pallas_call(
        _tc2_body,
        grid=(nb,),
        in_specs=[
            pl.BlockSpec((_BN, F4), lambda i: (i, 0)),
            pl.BlockSpec((_BN, F4), lambda i, nb=nb: (i + nb, 0)),
        ],
        out_specs=pl.BlockSpec((_BN, F4), lambda i: (i, 0)),
        out_shape=jax.ShapeDtypeStruct((_NPAD, F4), jnp.float32),
    )(tables, tables)


_B3 = 3200


def _tc3_body(x_ref, v_ref, wy_ref, env_ref, w2ax_ref, w2ap_ref, b2a_ref,
              w2b_ref, b2b_ref, w2c_ref, b2c_ref, b4_ref, g1_ref, g2_ref,
              xo_ref, vo_ref):
    xv = x_ref[...]
    Vv = v_ref[...]
    wy = wy_ref[...]
    P = wy * Vv
    h = (jnp.dot(xv, w2ax_ref[...], preferred_element_type=jnp.float32)
         + jnp.dot(P, w2ap_ref[...], preferred_element_type=jnp.float32)
         + b2a_ref[...])
    h = h * jax.nn.sigmoid(h)
    h = jnp.dot(h, w2b_ref[...], preferred_element_type=jnp.float32) + b2b_ref[...]
    h = h * jax.nn.sigmoid(h)
    h = jnp.dot(h, w2c_ref[...], preferred_element_type=jnp.float32) + b2c_ref[...]
    xo_ref[...] = env_ref[...] * h
    t1 = jnp.dot(wy, b4_ref[...], preferred_element_type=jnp.float32) * Vv
    t2 = wy * jnp.dot(Vv, b4_ref[...], preferred_element_type=jnp.float32)
    vo = (jnp.dot(t1, g1_ref[...], preferred_element_type=jnp.float32)
          + jnp.dot(t2, g2_ref[...], preferred_element_type=jnp.float32))
    vo_ref[...] = vo.T


def _tc3(x, V, wy, env, w2ax, w2ap, b2a, w2b, b2b, w2c, b2c, g1, g2):
    grid = (E // _B3,)
    zero = lambda i: (0, 0)
    return pl.pallas_call(
        _tc3_body,
        grid=grid,
        in_specs=[
            pl.BlockSpec((_B3, D_FEAT), lambda i: (i, 0)),
            pl.BlockSpec((_B3, F4), lambda i: (i, 0)),
            pl.BlockSpec((_B3, F4), lambda i: (i, 0)),
            pl.BlockSpec((_B3, 1), lambda i: (i, 0)),
            pl.BlockSpec((D_FEAT, H), zero),
            pl.BlockSpec((F4, H), zero),
            pl.BlockSpec((1, H), zero),
            pl.BlockSpec((H, H), zero),
            pl.BlockSpec((1, H), zero),
            pl.BlockSpec((H, H), zero),
            pl.BlockSpec((1, H), zero),
            pl.BlockSpec((F4, F4), zero),
            pl.BlockSpec((F4, 3 * MUL), zero),
            pl.BlockSpec((F4, 3 * MUL), zero),
        ],
        out_specs=[
            pl.BlockSpec((_B3, H), lambda i: (i, 0)),
            pl.BlockSpec((3 * MUL, _B3), lambda i: (0, i)),
        ],
        out_shape=[
            jax.ShapeDtypeStruct((E, H), jnp.float32),
            jax.ShapeDtypeStruct((3 * MUL, E), jnp.float32),
        ],
    )(x, V, wy, env, w2ax, w2ap, b2a, w2b, b2b, w2c, b2c,
      jnp.asarray(_B4), g1, g2)


def kernel(vectors, x, V, senders, W1, W2a, b2a, W2b, b2b, W2c, b2c, Wlin):
    w1r = W1 @ jnp.asarray(_Rm)
    w2ax = W2a[:D_FEAT]
    w2ap = EPSILON * (jnp.asarray(_Smat) @ W2a[D_FEAT:])
    scale = EPSILON / np.sqrt(2.0 * MUL)
    wl1 = (Wlin[:MUL] * scale)
    wl2 = (Wlin[MUL:] * scale)
    g1 = jnp.zeros((F4, 3 * MUL), jnp.float32)
    g2 = jnp.zeros((F4, 3 * MUL), jnp.float32)
    rows = _G_ROWS.reshape(3, MUL)
    cols = _G_COLS.reshape(3, MUL)
    for ci in range(3):
        g1 = g1.at[rows[ci][:, None], cols[ci][None, :]].set(wl1)
        g2 = g2.at[rows[ci][:, None], cols[ci][None, :]].set(wl2)
    b2a2 = b2a.reshape(1, H)
    b2b2 = b2b.reshape(1, H)
    b2c2 = b2c.reshape(1, H)
    zeros_stripe = jnp.zeros((_CHUNK, F4), jnp.float32)

    msg, env = _tc1(vectors.T, x, w1r)
    tables = _sc_scatter(msg, senders, zeros_stripe)
    agg = _tc2(tables)
    wy = _sc_gather(agg, senders)
    x_out, v_out_t = _tc3(x, V, wy, env, w2ax, w2ap, b2a2, W2b, b2b2,
                          W2c, b2c2, g1, g2)
    return (x_out, v_out_t.T)

# --- scband reference (transcript-rebuilt; emitter-appended) ---
"""Pipeline reference for scband-allegro-54674933678510 (READ-ONLY COPY).

The authoritative reference and input builder live on the scoring server;
editing this copy changes nothing except your own understanding.
"""

import jax, jax.numpy as jnp
import numpy as np

N_NODES = 10000
E = 160000
D_FEAT = 128
MUL = 32
H = 256
EPSILON = 0.25  # ~ 1/sqrt(avg_num_neighbors=16)
ENV_P = 6
CUTOFF = 2.0


def setup_inputs(seed: int = 0) -> dict:
    key = jax.random.key(seed)
    ks = jax.random.split(key, 12)
    vectors = jax.random.uniform(ks[0], (E, 3), dtype=jnp.float32)
    x = jax.random.normal(ks[1], (E, D_FEAT), dtype=jnp.float32)
    V = jax.random.normal(ks[2], (E, MUL * 4), dtype=jnp.float32)
    senders = jax.random.randint(ks[3], (E,), 0, N_NODES, dtype=jnp.int32)
    d_in = D_FEAT + 2 * MUL
    W1 = jax.random.normal(ks[4], (D_FEAT, MUL), dtype=jnp.float32) / np.sqrt(D_FEAT)
    W2a = jax.random.normal(ks[5], (d_in, H), dtype=jnp.float32) / np.sqrt(d_in)
    b2a = jnp.zeros((H,), dtype=jnp.float32)
    W2b = jax.random.normal(ks[6], (H, H), dtype=jnp.float32) / np.sqrt(H)
    b2b = jnp.zeros((H,), dtype=jnp.float32)
    W2c = jax.random.normal(ks[7], (H, H), dtype=jnp.float32) / np.sqrt(H)
    b2c = jnp.zeros((H,), dtype=jnp.float32)
    Wlin = jax.random.normal(ks[8], (2 * MUL, MUL), dtype=jnp.float32) / np.sqrt(2 * MUL)
    return {"vectors": vectors, "x": x, "V": V, "senders": senders,
            "W1": W1, "W2a": W2a, "b2a": b2a, "W2b": W2b, "b2b": b2b,
            "W2c": W2c, "b2c": b2c, "Wlin": Wlin}


def reference(vectors, x, V, senders, W1, W2a, b2a, W2b, b2b, W2c, b2c, Wlin):
    n_edges = vectors.shape[0]
    # ---- two-body weights (single-layer MLP, no activation) ----
    w = x @ W1  # [E, MUL]
    # ---- spherical harmonics up to l=1 (component-normalized, unit vectors) ----
    lengths = jnp.linalg.norm(vectors, axis=-1, keepdims=True)  # [E, 1]
    u = vectors / (lengths + 1e-9)
    Y = jnp.concatenate([jnp.ones((n_edges, 1), vectors.dtype), jnp.sqrt(3.0) * u], axis=-1)  # [E, 4]
    # ---- scatter_sum over senders, map back to edges (wY) ----
    msg = w[:, :, None] * Y[:, None, :]  # [E, MUL, 4]
    agg = jnp.zeros((N_NODES, MUL, 4), msg.dtype).at[senders].add(msg)
    wY = agg[senders] * EPSILON  # [E, MUL, 4]
    # ---- channel-wise tensor product (0e+1o) x (0e+1o) -> 0e + 1o paths ----
    Vr = V.reshape(n_edges, MUL, 4)
    s_wY, v_wY = wY[..., 0], wY[..., 1:]
    s_V, v_V = Vr[..., 0], Vr[..., 1:]
    s1 = s_wY * s_V                                   # 0e x 0e -> 0e
    s2 = jnp.sum(v_wY * v_V, axis=-1) / jnp.sqrt(3.0)  # 1o x 1o -> 0e
    v1 = s_wY[..., None] * v_V                        # 0e x 1o -> 1o
    v2 = v_wY * s_V[..., None]                        # 1o x 0e -> 1o
    scalars = jnp.concatenate([s1, s2], axis=1)       # [E, 2*MUL]
    vecs = jnp.concatenate([v1, v2], axis=1)          # [E, 2*MUL, 3]
    # ---- latent MLP on concatenated invariants ----
    xc = jnp.concatenate([x, scalars], axis=1)        # [E, D_FEAT + 2*MUL]
    h = jax.nn.silu(xc @ W2a + b2a)
    h = jax.nn.silu(h @ W2b + b2b)
    h = h @ W2c + b2c  # output_activation=False
    # ---- smoothing envelope (polynomial, order p) ----
    dn = lengths / CUTOFF
    p = ENV_P
    c1 = (p + 1.0) * (p + 2.0) / 2.0
    c2 = p * (p + 2.0)
    c3 = p * (p + 1.0) / 2.0
    env = jnp.where(dn < 1.0, 1.0 - c1 * dn ** p + c2 * dn ** (p + 1) - c3 * dn ** (p + 2), 0.0)
    x_out = env * h  # [E, H]
    # ---- equivariant linear on 1o channels: 2*MUL -> MUL ----
    V_out = jnp.einsum('eic,io->eoc', vecs, Wlin) / jnp.sqrt(vecs.shape[1])
    return (x_out, V_out.reshape(n_edges, -1))

if __name__ == "__main__":
    import jax
    _d = setup_inputs()
    print(jax.jit(kernel)(*tuple(_d.values())))

</pallas_src>

<mosaic_0001>
#map = affine_map<(d0, d1) -> (0, 0)>
#map1 = affine_map<(d0, d1) -> (0)>
module attributes {stable_mosaic.version = 14 : i64} {
  func.func @_sc_gather_body(%arg0: i32, %arg1: i32, %arg2: memref<10240x128xf32, #tpu.memory_space<hbm>>, %arg3: memref<160000xi32, #tpu.memory_space<hbm>>, %arg4: memref<160000x128xf32, #tpu.memory_space<hbm>>, %arg5: memref<40x128xi32, #tpu.memory_space<vmem>>, %arg6: memref<2x128x128xf32, #tpu.memory_space<vmem>>, %arg7: memref<!tpu.dma_semaphore, #tpu.memory_space<semaphore_mem>>, %arg8: memref<!tpu.dma_semaphore, #tpu.memory_space<semaphore_mem>>, %arg9: memref<!tpu.dma_semaphore, #tpu.memory_space<semaphore_mem>>) attributes {dimension_semantics = [#tpu.dimension_semantics<core_parallel>, #tpu.dimension_semantics<subcore_parallel>], iteration_bounds = array<i64: 2, 16>, scalar_prefetch = 0 : i64, scratch_operands = 5 : i64, tpu.core_type = #tpu.core_type<sc_vector_subcore>, window_params = [{transform_indices = #map}, {transform_indices = #map1}, {transform_indices = #map}]} {
    %mul3A = arith.constant 2 : i32
    %mul3A_0 = arith.muli %arg1, %mul3A : i32
    %add3A = arith.addi %mul3A_0, %arg0 : i32
    %scan3A = arith.constant 0 : i32
    %scan3A_1 = arith.constant 0 : i32
    %scan3A_2 = arith.constant 40 : i32
    %scan3A_3 = arith.addi %scan3A_1, %scan3A_2 : i32
    %scan3A_4 = arith.constant 1 : i32
    scf.for %scan3A_33 = %scan3A_1 to %scan3A_3 step %scan3A_4  : i32 {
      %mul3A_34 = arith.constant 32 : i32
      %mul3A_35 = arith.muli %scan3A_33, %mul3A_34 : i32
      %add3A_36 = arith.addi %add3A, %mul3A_35 : i32
      %min3A = arith.constant 1249 : i32
      %min3A_37 = arith.minsi %add3A_36, %min3A : i32
      %mul3A_38 = arith.constant 128 : i32
      %mul3A_39 = arith.muli %min3A_37, %mul3A_38 : i32
      %dma_start3A_40 = arith.constant 0 : i32
      %dma_start3A_41 = tpu.memref_slice %arg5[%scan3A_33, %dma_start3A_40] : memref<40x128xi32, #tpu.memory_space<vmem>> -> memref<1x128xi32, #tpu.memory_space<vmem>>
      %dma_start3A_42 = tpu.memref_squeeze %dma_start3A_41 : memref<1x128xi32, #tpu.memory_space<vmem>> -> memref<128xi32, #tpu.memory_space<vmem>>
      %dma_start3A_43 = tpu.memref_slice %arg3[%mul3A_39] : memref<160000xi32, #tpu.memory_space<hbm>> -> memref<128xi32, #tpu.memory_space<hbm>>
      %dma_start3A_44 = arith.constant 0 : i32
      %dma_start3A_45 = tpu.memref_slice %arg5[%scan3A_33, %dma_start3A_44] : memref<40x128xi32, #tpu.memory_space<vmem>> -> memref<1x128xi32, #tpu.memory_space<vmem>>
      %dma_start3A_46 = tpu.memref_squeeze %dma_start3A_45 : memref<1x128xi32, #tpu.memory_space<vmem>> -> memref<128xi32, #tpu.memory_space<vmem>>
      %dma_start3A_47 = tpu.memref_slice %arg3[%mul3A_39] : memref<160000xi32, #tpu.memory_space<hbm>> -> memref<128xi32, #tpu.memory_space<hbm>>
      tpu.enqueue_dma source(%dma_start3A_47 : memref<128xi32, #tpu.memory_space<hbm>>) target(%dma_start3A_46 : memref<128xi32, #tpu.memory_space<vmem>>) target_semaphore(%arg7 : memref<!tpu.dma_semaphore, #tpu.memory_space<semaphore_mem>>)
    }
    %scan3A_5 = arith.constant 40 : i32
    %scan3A_6 = arith.constant 0 : i32
    %scan3A_7 = arith.constant 0 : i32
    %scan3A_8 = arith.constant 40 : i32
    %scan3A_9 = arith.addi %scan3A_7, %scan3A_8 : i32
    %scan3A_10 = arith.constant 1 : i32
    scf.for %scan3A_33 = %scan3A_7 to %scan3A_9 step %scan3A_10  : i32 {
      %dma_wait3A = arith.constant 0 : i32
      %dma_wait3A_34 = tpu.memref_slice %arg5[%scan3A_33, %dma_wait3A] : memref<40x128xi32, #tpu.memory_space<vmem>> -> memref<1x128xi32, #tpu.memory_space<vmem>>
      %dma_wait3A_35 = tpu.memref_squeeze %dma_wait3A_34 : memref<1x128xi32, #tpu.memory_space<vmem>> -> memref<128xi32, #tpu.memory_space<vmem>>
      %dma_wait3A_36 = arith.constant 0 : i32
      %dma_wait3A_37 = tpu.memref_slice %arg3[%dma_wait3A_36] : memref<160000xi32, #tpu.memory_space<hbm>> -> memref<128xi32, #tpu.memory_space<hbm>>
      %dma_wait3A_38 = arith.constant 0 : i32
      %dma_wait3A_39 = tpu.memref_slice %arg5[%scan3A_33, %dma_wait3A_38] : memref<40x128xi32, #tpu.memory_space<vmem>> -> memref<1x128xi32, #tpu.memory_space<vmem>>
      %dma_wait3A_40 = tpu.memref_squeeze %dma_wait3A_39 : memref<1x128xi32, #tpu.memory_space<vmem>> -> memref<128xi32, #tpu.memory_space<vmem>>
      %dma_wait3A_41 = arith.constant 0 : i32
      %dma_wait3A_42 = tpu.memref_slice %arg3[%dma_wait3A_41] : memref<160000xi32, #tpu.memory_space<hbm>> -> memref<128xi32, #tpu.memory_space<hbm>>
      tpu.wait_dma2 semaphore(%arg7 : memref<!tpu.dma_semaphore, #tpu.memory_space<semaphore_mem>>) src(%dma_wait3A_42 : memref<128xi32, #tpu.memory_space<hbm>>) dst(%dma_wait3A_40 : memref<128xi32, #tpu.memory_space<vmem>>)
    }
    %scan3A_11 = arith.constant 40 : i32
    %dma_start3A = arith.constant 0 : i32
    %dma_start3A_12 = arith.constant 0 : i32
    %dma_start3A_13 = arith.constant 0 : i32
    %dma_start3A_14 = arith.constant 0 : i32
    %dma_start3A_15 = tpu.memref_slice %arg6[%dma_start3A_12, %dma_start3A_13, %dma_start3A_14] : memref<2x128x128xf32, #tpu.memory_space<vmem>> -> memref<1x128x128xf32, #tpu.memory_space<vmem>>
    %dma_start3A_16 = tpu.memref_squeeze %dma_start3A_15 : memref<1x128x128xf32, #tpu.memory_space<vmem>> -> memref<128x128xf32, #tpu.memory_space<vmem>>
    %dma_start3A_17 = arith.constant 0 : i32
    %dma_start3A_18 = tpu.memref_slice %arg5[%dma_start3A, %dma_start3A_17] : memref<40x128xi32, #tpu.memory_space<vmem>> -> memref<1x128xi32, #tpu.memory_space<vmem>>
    %dma_start3A_19 = tpu.memref_squeeze %dma_start3A_18 : memref<1x128xi32, #tpu.memory_space<vmem>> -> memref<128xi32, #tpu.memory_space<vmem>>
    %dma_start3A_20 = arith.constant 0 : i32
    %dma_start3A_21 = arith.constant 0 : i32
    %dma_start3A_22 = tpu.memref_slice %arg2[%dma_start3A_20, %dma_start3A_21] : memref<10240x128xf32, #tpu.memory_space<hbm>> -> memref<10240x128xf32, #tpu.memory_space<hbm>>
    tpu.enqueue_indirect_dma source(%dma_start3A_22 : memref<10240x128xf32, #tpu.memory_space<hbm>>) target(%dma_start3A_16 : memref<128x128xf32, #tpu.memory_space<vmem>>) offsets(%dma_start3A_19 : memref<128xi32, #tpu.memory_space<vmem>>) semaphore(%arg8 : memref<!tpu.dma_semaphore, #tpu.memory_space<semaphore_mem>>)
    %scan3A_23 = arith.constant 0 : i32
    %scan3A_24 = arith.constant 0 : i32
    %scan3A_25 = arith.constant 40 : i32
    %scan3A_26 = arith.addi %scan3A_24, %scan3A_25 : i32
    %scan3A_27 = arith.constant 1 : i32
    scf.for %scan3A_33 = %scan3A_24 to %scan3A_26 step %scan3A_27  : i32 {
      %jit3A = arith.constant 2 : i32
      %eq3A = arith.constant 0 : i32
      %eq3A_34 = arith.cmpi eq, %jit3A, %eq3A : i32
      %jit3A_35 = arith.constant 1 : i32
      %select_n3A = arith.select %eq3A_34, %jit3A_35, %jit3A : i32
      %rem3A = arith.remsi %scan3A_33, %select_n3A : i32
      %ne3A = arith.constant 0 : i32
      %ne3A_36 = arith.cmpi ne, %rem3A, %ne3A : i32
      %lt3A_37 = arith.constant 0 : i32
      %lt3A_38 = arith.cmpi slt, %rem3A, %lt3A_37 : i32
      %lt3A_39 = arith.constant 0 : i32
      %lt3A_40 = arith.cmpi slt, %select_n3A, %lt3A_39 : i32
      %ne3A_41 = arith.xori %lt3A_38, %lt3A_40 : i1
      %and3A = arith.andi %ne3A_41, %ne3A_36 : i1
      %add3A_42 = arith.addi %rem3A, %select_n3A : i32
      %select_n3A_43 = arith.select %and3A, %add3A_42, %rem3A : i32
      %dma_wait3A = arith.constant 0 : i32
      %dma_wait3A_44 = arith.constant 0 : i32
      %dma_wait3A_45 = arith.constant 0 : i32
      %dma_wait3A_46 = tpu.memref_slice %arg6[%select_n3A_43, %dma_wait3A_44, %dma_wait3A_45] : memref<2x128x128xf32, #tpu.memory_space<vmem>> -> memref<1x128x128xf32, #tpu.memory_space<vmem>>
      %dma_wait3A_47 = tpu.memref_squeeze %dma_wait3A_46 : memref<1x128x128xf32, #tpu.memory_space<vmem>> -> memref<128x128xf32, #tpu.memory_space<vmem>>
      %dma_wait3A_48 = arith.constant 0 : i32
      %dma_wait3A_49 = tpu.memref_slice %arg5[%dma_wait3A, %dma_wait3A_48] : memref<40x128xi32, #tpu.memory_space<vmem>> -> memref<1x128xi32, #tpu.memory_space<vmem>>
      %dma_wait3A_50 = tpu.memref_squeeze %dma_wait3A_49 : memref<1x128xi32, #tpu.memory_space<vmem>> -> memref<128xi32, #tpu.memory_space<vmem>>
      %dma_wait3A_51 = arith.constant 0 : i32
      %dma_wait3A_52 = arith.constant 0 : i32
      %dma_wait3A_53 = tpu.memref_slice %arg2[%dma_wait3A_51, %dma_wait3A_52] : memref<10240x128xf32, #tpu.memory_space<hbm>> -> memref<10240x128xf32, #tpu.memory_space<hbm>>
      tpu.wait_indirect_dma semaphore(%arg8 : memref<!tpu.dma_semaphore, #tpu.memory_space<semaphore_mem>>) src(%dma_wait3A_53 : memref<10240x128xf32, #tpu.memory_space<hbm>>) dst(%dma_wait3A_47 : memref<128x128xf32, #tpu.memory_space<vmem>>)
      %ge3A = arith.constant 1 : i32
      %ge3A_54 = arith.cmpi sge, %scan3A_33, %ge3A : i32
      %convert_element_type3A_55 = arith.extui %ge3A_54 : i1 to i32
      %cond3A_56 = arith.constant 0 : i32
      %cond3A_57 = arith.cmpi ne, %convert_element_type3A_55, %cond3A_56 : i32
      scf.if %cond3A_57 {
        %sub3A = arith.constant 1 : i32
        %sub3A_73 = arith.subi %sub3A, %select_n3A_43 : i32
        %dma_wait3A_74 = arith.constant 0 : i32
        %dma_wait3A_75 = arith.constant 0 : i32
        %dma_wait3A_76 = tpu.memref_slice %arg6[%sub3A_73, %dma_wait3A_74, %dma_wait3A_75] : memref<2x128x128xf32, #tpu.memory_space<vmem>> -> memref<1x128x128xf32, #tpu.memory_space<vmem>>
        %dma_wait3A_77 = tpu.memref_squeeze %dma_wait3A_76 : memref<1x128x128xf32, #tpu.memory_space<vmem>> -> memref<128x128xf32, #tpu.memory_space<vmem>>
        %dma_wait3A_78 = arith.constant 0 : i32
        %dma_wait3A_79 = arith.constant 0 : i32
        %dma_wait3A_80 = tpu.memref_slice %arg4[%dma_wait3A_78, %dma_wait3A_79] : memref<160000x128xf32, #tpu.memory_space<hbm>> -> memref<128x128xf32, #tpu.memory_space<hbm>>
        %dma_wait3A_81 = arith.constant 0 : i32
        %dma_wait3A_82 = arith.constant 0 : i32
        %dma_wait3A_83 = tpu.memref_slice %arg4[%dma_wait3A_81, %dma_wait3A_82] : memref<160000x128xf32, #tpu.memory_space<hbm>> -> memref<128x128xf32, #tpu.memory_space<hbm>>
        %dma_wait3A_84 = arith.constant 0 : i32
        %dma_wait3A_85 = arith.constant 0 : i32
        %dma_wait3A_86 = tpu.memref_slice %arg6[%sub3A_73, %dma_wait3A_84, %dma_wait3A_85] : memref<2x128x128xf32, #tpu.memory_space<vmem>> -> memref<1x128x128xf32, #tpu.memory_space<vmem>>
        %dma_wait3A_87 = tpu.memref_squeeze %dma_wait3A_86 : memref<1x128x128xf32, #tpu.memory_space<vmem>> -> memref<128x128xf32, #tpu.memory_space<vmem>>
        tpu.wait_dma2 semaphore(%arg9 : memref<!tpu.dma_semaphore, #tpu.memory_space<semaphore_mem>>) src(%dma_wait3A_87 : memref<128x128xf32, #tpu.memory_space<vmem>>) dst(%dma_wait3A_83 : memref<128x128xf32, #tpu.memory_space<hbm>>)
      } else {
      }
      %add3A_58 = arith.constant 1 : i32
      %add3A_59 = arith.addi %scan3A_33, %add3A_58 : i32
      %lt3A_60 = arith.constant 40 : i32
      %lt3A_61 = arith.cmpi slt, %add3A_59, %lt3A_60 : i32
      %convert_element_type3A_62 = arith.extui %lt3A_61 : i1 to i32
      %cond3A_63 = arith.constant 0 : i32
      %cond3A_64 = arith.cmpi ne, %convert_element_type3A_62, %cond3A_63 : i32
      scf.if %cond3A_64 {
        %add3A_73 = arith.constant 1 : i32
        %add3A_74 = arith.addi %scan3A_33, %add3A_73 : i32
        %jit3A_75 = arith.constant 2 : i32
        %eq3A_76 = arith.constant 0 : i32
        %eq3A_77 = arith.cmpi eq, %jit3A_75, %eq3A_76 : i32
        %jit3A_78 = arith.constant 1 : i32
        %select_n3A_79 = arith.select %eq3A_77, %jit3A_78, %jit3A_75 : i32
        %rem3A_80 = arith.remsi %add3A_74, %select_n3A_79 : i32
        %ne3A_81 = arith.constant 0 : i32
        %ne3A_82 = arith.cmpi ne, %rem3A_80, %ne3A_81 : i32
        %lt3A_83 = arith.constant 0 : i32
        %lt3A_84 = arith.cmpi slt, %rem3A_80, %lt3A_83 : i32
        %lt3A_85 = arith.constant 0 : i32
        %lt3A_86 = arith.cmpi slt, %select_n3A_79, %lt3A_85 : i32
        %ne3A_87 = arith.xori %lt3A_84, %lt3A_86 : i1
        %and3A_88 = arith.andi %ne3A_87, %ne3A_82 : i1
        %add3A_89 = arith.addi %rem3A_80, %select_n3A_79 : i32
        %select_n3A_90 = arith.select %and3A_88, %add3A_89, %rem3A_80 : i32
        %dma_start3A_91 = arith.constant 0 : i32
        %dma_start3A_92 = arith.constant 0 : i32
        %dma_start3A_93 = tpu.memref_slice %arg6[%select_n3A_90, %dma_start3A_91, %dma_start3A_92] : memref<2x128x128xf32, #tpu.memory_space<vmem>> -> memref<1x128x128xf32, #tpu.memory_space<vmem>>
        %dma_start3A_94 = tpu.memref_squeeze %dma_start3A_93 : memref<1x128x128xf32, #tpu.memory_space<vmem>> -> memref<128x128xf32, #tpu.memory_space<vmem>>
        %dma_start3A_95 = arith.constant 0 : i32
        %dma_start3A_96 = tpu.memref_slice %arg5[%add3A_74, %dma_start3A_95] : memref<40x128xi32, #tpu.memory_space<vmem>> -> memref<1x128xi32, #tpu.memory_space<vmem>>
        %dma_start3A_97 = tpu.memref_squeeze %dma_start3A_96 : memref<1x128xi32, #tpu.memory_space<vmem>> -> memref<128xi32, #tpu.memory_space<vmem>>
        %dma_start3A_98 = arith.constant 0 : i32
        %dma_start3A_99 = arith.constant 0 : i32
        %dma_start3A_100 = tpu.memref_slice %arg2[%dma_start3A_98, %dma_start3A_99] : memref<10240x128xf32, #tpu.memory_space<hbm>> -> memref<10240x128xf32, #tpu.memory_space<hbm>>
        tpu.enqueue_indirect_dma source(%dma_start3A_100 : memref<10240x128xf32, #tpu.memory_space<hbm>>) target(%dma_start3A_94 : memref<128x128xf32, #tpu.memory_space<vmem>>) offsets(%dma_start3A_97 : memref<128xi32, #tpu.memory_space<vmem>>) semaphore(%arg8 : memref<!tpu.dma_semaphore, #tpu.memory_space<semaphore_mem>>)
      } else {
      }
      %mul3A_65 = arith.constant 32 : i32
      %mul3A_66 = arith.muli %scan3A_33, %mul3A_65 : i32
      %add3A_67 = arith.addi %add3A, %mul3A_66 : i32
      %lt3A_68 = arith.constant 1250 : i32
      %lt3A_69 = arith.cmpi slt, %add3A_67, %lt3A_68 : i32
      %convert_element_type3A_70 = arith.extui %lt3A_69 : i1 to i32
      %cond3A_71 = arith.constant 0 : i32
      %cond3A_72 = arith.cmpi ne, %convert_element_type3A_70, %cond3A_71 : i32
      scf.if %cond3A_72 {
        %mul3A_73 = arith.constant 32 : i32
        %mul3A_74 = arith.muli %scan3A_33, %mul3A_73 : i32
        %add3A_75 = arith.addi %add3A, %mul3A_74 : i32
        %mul3A_76 = arith.constant 128 : i32
        %mul3A_77 = arith.muli %add3A_75, %mul3A_76 : i32
        %dma_start3A_78 = arith.constant 0 : i32
        %dma_start3A_79 = arith.constant 0 : i32
        %dma_start3A_80 = tpu.memref_slice %arg6[%select_n3A_43, %dma_start3A_78, %dma_start3A_79] : memref<2x128x128xf32, #tpu.memory_space<vmem>> -> memref<1x128x128xf32, #tpu.memory_space<vmem>>
        %dma_start3A_81 = tpu.memref_squeeze %dma_start3A_80 : memref<1x128x128xf32, #tpu.memory_space<vmem>> -> memref<128x128xf32, #tpu.memory_space<vmem>>
        %dma_start3A_82 = arith.constant 0 : i32
        %dma_start3A_83 = tpu.memref_slice %arg4[%mul3A_77, %dma_start3A_82] : memref<160000x128xf32, #tpu.memory_space<hbm>> -> memref<128x128xf32, #tpu.memory_space<hbm>>
        %dma_start3A_84 = arith.constant 0 : i32
        %dma_start3A_85 = tpu.memref_slice %arg4[%mul3A_77, %dma_start3A_84] : memref<160000x128xf32, #tpu.memory_space<hbm>> -> memref<128x128xf32, #tpu.memory_space<hbm>>
        %dma_start3A_86 = arith.constant 0 : i32
        %dma_start3A_87 = arith.constant 0 : i32
        %dma_start3A_88 = tpu.memref_slice %arg6[%select_n3A_43, %dma_start3A_86, %dma_start3A_87] : memref<2x128x128xf32, #tpu.memory_space<vmem>> -> memref<1x128x128xf32, #tpu.memory_space<vmem>>
        %dma_start3A_89 = tpu.memref_squeeze %dma_start3A_88 : memref<1x128x128xf32, #tpu.memory_space<vmem>> -> memref<128x128xf32, #tpu.memory_space<vmem>>
        tpu.enqueue_dma source(%dma_start3A_89 : memref<128x128xf32, #tpu.memory_space<vmem>>) target(%dma_start3A_85 : memref<128x128xf32, #tpu.memory_space<hbm>>) target_semaphore(%arg9 : memref<!tpu.dma_semaphore, #tpu.memory_space<semaphore_mem>>)
      } else {
      }
    }
    %scan3A_28 = arith.constant 40 : i32
    %add3A_29 = arith.constant 1248 : i32
    %add3A_30 = arith.addi %add3A, %add3A_29 : i32
    %lt3A = arith.constant 1250 : i32
    %lt3A_31 = arith.cmpi slt, %add3A_30, %lt3A : i32
    %convert_element_type3A = arith.extui %lt3A_31 : i1 to i32
    %cond3A = arith.constant 0 : i32
    %cond3A_32 = arith.cmpi ne, %convert_element_type3A, %cond3A : i32
    scf.if %cond3A_32 {
      %dma_wait3A = arith.constant 1 : i32
      %dma_wait3A_33 = arith.constant 0 : i32
      %dma_wait3A_34 = arith.constant 0 : i32
      %dma_wait3A_35 = tpu.memref_slice %arg6[%dma_wait3A, %dma_wait3A_33, %dma_wait3A_34] : memref<2x128x128xf32, #tpu.memory_space<vmem>> -> memref<1x128x128xf32, #tpu.memory_space<vmem>>
      %dma_wait3A_36 = tpu.memref_squeeze %dma_wait3A_35 : memref<1x128x128xf32, #tpu.memory_space<vmem>> -> memref<128x128xf32, #tpu.memory_space<vmem>>
      %dma_wait3A_37 = arith.constant 0 : i32
      %dma_wait3A_38 = arith.constant 0 : i32
      %dma_wait3A_39 = tpu.memref_slice %arg4[%dma_wait3A_37, %dma_wait3A_38] : memref<160000x128xf32, #tpu.memory_space<hbm>> -> memref<128x128xf32, #tpu.memory_space<hbm>>
      %dma_wait3A_40 = arith.constant 0 : i32
      %dma_wait3A_41 = arith.constant 0 : i32
      %dma_wait3A_42 = tpu.memref_slice %arg4[%dma_wait3A_40, %dma_wait3A_41] : memref<160000x128xf32, #tpu.memory_space<hbm>> -> memref<128x128xf32, #tpu.memory_space<hbm>>
      %dma_wait3A_43 = arith.constant 0 : i32
      %dma_wait3A_44 = arith.constant 0 : i32
      %dma_wait3A_45 = tpu.memref_slice %arg6[%dma_wait3A, %dma_wait3A_43, %dma_wait3A_44] : memref<2x128x128xf32, #tpu.memory_space<vmem>> -> memref<1x128x128xf32, #tpu.memory_space<vmem>>
      %dma_wait3A_46 = tpu.memref_squeeze %dma_wait3A_45 : memref<1x128x128xf32, #tpu.memory_space<vmem>> -> memref<128x128xf32, #tpu.memory_space<vmem>>
      tpu.wait_dma2 semaphore(%arg9 : memref<!tpu.dma_semaphore, #tpu.memory_space<semaphore_mem>>) src(%dma_wait3A_46 : memref<128x128xf32, #tpu.memory_space<vmem>>) dst(%dma_wait3A_42 : memref<128x128xf32, #tpu.memory_space<hbm>>)
    } else {
    }
    return
  }
}

#map = affine_map<(d0, d1) -> (0, 0)>
#map1 = affine_map<(d0, d1) -> (0)>
module attributes {stable_mosaic.version = 14 : i64} {
  func.func @_sc_scatter_body(%arg0: i32, %arg1: i32, %arg2: memref<160000x128xf32, #tpu.memory_space<hbm>>, %arg3: memref<160000xi32, #tpu.memory_space<hbm>>, %arg4: memref<128x128xf32, #tpu.memory_space<hbm>>, %arg5: memref<20480x128xf32, #tpu.memory_space<hbm>>, %arg6: memref<40x128xi32, #tpu.memory_space<vmem>>, %arg7: memref<2x128x128xf32, #tpu.memory_space<vmem>>, %arg8: memref<10240x128xf32, #tpu.memory_space<vmem_shared>>, %arg9: memref<!tpu.dma_semaphore, #tpu.memory_space<semaphore_mem>>, %arg10: memref<!tpu.dma_semaphore, #tpu.memory_space<semaphore_mem>>) attributes {dimension_semantics = [#tpu.dimension_semantics<core_parallel>, #tpu.dimension_semantics<subcore_parallel>], iteration_bounds = array<i64: 2, 16>, scalar_prefetch = 0 : i64, scratch_operands = 5 : i64, tpu.core_type = #tpu.core_type<sc_vector_subcore>, window_params = [{transform_indices = #map}, {transform_indices = #map1}, {transform_indices = #map}, {transform_indices = #map}]} {
    %mul3A = arith.constant 2 : i32
    %mul3A_0 = arith.muli %arg1, %mul3A : i32
    %add3A = arith.addi %mul3A_0, %arg0 : i32
    %run_scoped3A = arith.constant 0 : i32
    "tpu.region"() ({
      %run_scoped3A_48 = tpu.sem_alloc : memref<!tpu.dma_semaphore, #tpu.memory_space<semaphore_mem>>
      %dma_start3A_49 = arith.constant 0 : i32
      %dma_start3A_50 = arith.constant 0 : i32
      %dma_start3A_51 = tpu.memref_slice %arg7[%run_scoped3A, %dma_start3A_49, %dma_start3A_50] : memref<2x128x128xf32, #tpu.memory_space<vmem>> -> memref<1x128x128xf32, #tpu.memory_space<vmem>>
      %dma_start3A_52 = tpu.memref_squeeze %dma_start3A_51 : memref<1x128x128xf32, #tpu.memory_space<vmem>> -> memref<128x128xf32, #tpu.memory_space<vmem>>
      %dma_start3A_53 = arith.constant 0 : i32
      %dma_start3A_54 = arith.constant 0 : i32
      %dma_start3A_55 = tpu.memref_slice %arg7[%run_scoped3A, %dma_start3A_53, %dma_start3A_54] : memref<2x128x128xf32, #tpu.memory_space<vmem>> -> memref<1x128x128xf32, #tpu.memory_space<vmem>>
      %dma_start3A_56 = tpu.memref_squeeze %dma_start3A_55 : memref<1x128x128xf32, #tpu.memory_space<vmem>> -> memref<128x128xf32, #tpu.memory_space<vmem>>
      tpu.enqueue_dma source(%arg4 : memref<128x128xf32, #tpu.memory_space<hbm>>) target(%dma_start3A_56 : memref<128x128xf32, #tpu.memory_space<vmem>>) target_semaphore(%run_scoped3A_48 : memref<!tpu.dma_semaphore, #tpu.memory_space<semaphore_mem>>)
      %dma_wait3A = arith.constant 0 : i32
      %dma_wait3A_57 = arith.constant 0 : i32
      %dma_wait3A_58 = tpu.memref_slice %arg7[%run_scoped3A, %dma_wait3A, %dma_wait3A_57] : memref<2x128x128xf32, #tpu.memory_space<vmem>> -> memref<1x128x128xf32, #tpu.memory_space<vmem>>
      %dma_wait3A_59 = tpu.memref_squeeze %dma_wait3A_58 : memref<1x128x128xf32, #tpu.memory_space<vmem>> -> memref<128x128xf32, #tpu.memory_space<vmem>>
      %dma_wait3A_60 = arith.constant 0 : i32
      %dma_wait3A_61 = arith.constant 0 : i32
      %dma_wait3A_62 = tpu.memref_slice %arg7[%run_scoped3A, %dma_wait3A_60, %dma_wait3A_61] : memref<2x128x128xf32, #tpu.memory_space<vmem>> -> memref<1x128x128xf32, #tpu.memory_space<vmem>>
      %dma_wait3A_63 = tpu.memref_squeeze %dma_wait3A_62 : memref<1x128x128xf32, #tpu.memory_space<vmem>> -> memref<128x128xf32, #tpu.memory_space<vmem>>
      tpu.wait_dma2 semaphore(%run_scoped3A_48 : memref<!tpu.dma_semaphore, #tpu.memory_space<semaphore_mem>>) src(%arg4 : memref<128x128xf32, #tpu.memory_space<hbm>>) dst(%dma_wait3A_63 : memref<128x128xf32, #tpu.memory_space<vmem>>)
      tpu.yield
    }) : () -> ()
    %scan3A = arith.constant 0 : i32
    %scan3A_1 = arith.constant 0 : i32
    %scan3A_2 = arith.constant 5 : i32
    %scan3A_3 = arith.addi %scan3A_1, %scan3A_2 : i32
    %scan3A_4 = arith.constant 1 : i32
    scf.for %scan3A_48 = %scan3A_1 to %scan3A_3 step %scan3A_4  : i32 {
      %mul3A_49 = arith.constant 640 : i32
      %mul3A_50 = arith.muli %arg1, %mul3A_49 : i32
      %mul3A_51 = arith.constant 128 : i32
      %mul3A_52 = arith.muli %scan3A_48, %mul3A_51 : i32
      %add3A_53 = arith.addi %mul3A_50, %mul3A_52 : i32
      %run_scoped3A_54 = arith.constant 0 : i32
      "tpu.region"() ({
        %run_scoped3A_55 = tpu.sem_alloc : memref<!tpu.dma_semaphore, #tpu.memory_space<semaphore_mem>>
        %dma_start3A_56 = arith.constant 0 : i32
        %dma_start3A_57 = arith.constant 0 : i32
        %dma_start3A_58 = tpu.memref_slice %arg7[%run_scoped3A_54, %dma_start3A_56, %dma_start3A_57] : memref<2x128x128xf32, #tpu.memory_space<vmem>> -> memref<1x128x128xf32, #tpu.memory_space<vmem>>
        %dma_start3A_59 = tpu.memref_squeeze %dma_start3A_58 : memref<1x128x128xf32, #tpu.memory_space<vmem>> -> memref<128x128xf32, #tpu.memory_space<vmem>>
        %dma_start3A_60 = arith.constant 0 : i32
        %dma_start3A_61 = tpu.memref_slice %arg8[%add3A_53, %dma_start3A_60] : memref<10240x128xf32, #tpu.memory_space<vmem_shared>> -> memref<128x128xf32, #tpu.memory_space<vmem_shared>>
        %dma_start3A_62 = arith.constant 0 : i32
        %dma_start3A_63 = tpu.memref_slice %arg8[%add3A_53, %dma_start3A_62] : memref<10240x128xf32, #tpu.memory_space<vmem_shared>> -> memref<128x128xf32, #tpu.memory_space<vmem_shared>>
        %dma_start3A_64 = arith.constant 0 : i32
        %dma_start3A_65 = arith.constant 0 : i32
        %dma_start3A_66 = tpu.memref_slice %arg7[%run_scoped3A_54, %dma_start3A_64, %dma_start3A_65] : memref<2x128x128xf32, #tpu.memory_space<vmem>> -> memref<1x128x128xf32, #tpu.memory_space<vmem>>
        %dma_start3A_67 = tpu.memref_squeeze %dma_start3A_66 : memref<1x128x128xf32, #tpu.memory_space<vmem>> -> memref<128x128xf32, #tpu.memory_space<vmem>>
        tpu.enqueue_dma source(%dma_start3A_67 : memref<128x128xf32, #tpu.memory_space<vmem>>) target(%dma_start3A_63 : memref<128x128xf32, #tpu.memory_space<vmem_shared>>) target_semaphore(%run_scoped3A_55 : memref<!tpu.dma_semaphore, #tpu.memory_space<semaphore_mem>>)
        %dma_wait3A = arith.constant 0 : i32
        %dma_wait3A_68 = arith.constant 0 : i32
        %dma_wait3A_69 = tpu.memref_slice %arg7[%run_scoped3A_54, %dma_wait3A, %dma_wait3A_68] : memref<2x128x128xf32, #tpu.memory_space<vmem>> -> memref<1x128x128xf32, #tpu.memory_space<vmem>>
        %dma_wait3A_70 = tpu.memref_squeeze %dma_wait3A_69 : memref<1x128x128xf32, #tpu.memory_space<vmem>> -> memref<128x128xf32, #tpu.memory_space<vmem>>
        %dma_wait3A_71 = arith.constant 0 : i32
        %dma_wait3A_72 = tpu.memref_slice %arg8[%add3A_53, %dma_wait3A_71] : memref<10240x128xf32, #tpu.memory_space<vmem_shared>> -> memref<128x128xf32, #tpu.memory_space<vmem_shared>>
        %dma_wait3A_73 = arith.constant 0 : i32
        %dma_wait3A_74 = tpu.memref_slice %arg8[%add3A_53, %dma_wait3A_73] : memref<10240x128xf32, #tpu.memory_space<vmem_shared>> -> memref<128x128xf32, #tpu.memory_space<vmem_shared>>
        %dma_wait3A_75 = arith.constant 0 : i32
        %dma_wait3A_76 = arith.constant 0 : i32
        %dma_wait3A_77 = tpu.memref_slice %arg7[%run_scoped3A_54, %dma_wait3A_75, %dma_wait3A_76] : memref<2x128x128xf32, #tpu.memory_space<vmem>> -> memref<1x128x128xf32, #tpu.memory_space<vmem>>
        %dma_wait3A_78 = tpu.memref_squeeze %dma_wait3A_77 : memref<1x128x128xf32, #tpu.memory_space<vmem>> -> memref<128x128xf32, #tpu.memory_space<vmem>>
        tpu.wait_dma2 semaphore(%run_scoped3A_55 : memref<!tpu.dma_semaphore, #tpu.memory_space<semaphore_mem>>) src(%dma_wait3A_78 : memref<128x128xf32, #tpu.memory_space<vmem>>) dst(%dma_wait3A_74 : memref<128x128xf32, #tpu.memory_space<vmem_shared>>)
        tpu.yield
      }) : () -> ()
    }
    %scan3A_5 = arith.constant 5 : i32
    %scan3A_6 = arith.constant 0 : i32
    %scan3A_7 = arith.constant 0 : i32
    %scan3A_8 = arith.constant 40 : i32
    %scan3A_9 = arith.addi %scan3A_7, %scan3A_8 : i32
    %scan3A_10 = arith.constant 1 : i32
    scf.for %scan3A_48 = %scan3A_7 to %scan3A_9 step %scan3A_10  : i32 {
      %mul3A_49 = arith.constant 32 : i32
      %mul3A_50 = arith.muli %scan3A_48, %mul3A_49 : i32
      %add3A_51 = arith.addi %add3A, %mul3A_50 : i32
      %min3A_52 = arith.constant 1249 : i32
      %min3A_53 = arith.minsi %add3A_51, %min3A_52 : i32
      %mul3A_54 = arith.constant 128 : i32
      %mul3A_55 = arith.muli %min3A_53, %mul3A_54 : i32
      %dma_start3A_56 = arith.constant 0 : i32
      %dma_start3A_57 = tpu.memref_slice %arg6[%scan3A_48, %dma_start3A_56] : memref<40x128xi32, #tpu.memory_space<vmem>> -> memref<1x128xi32, #tpu.memory_space<vmem>>
      %dma_start3A_58 = tpu.memref_squeeze %dma_start3A_57 : memref<1x128xi32, #tpu.memory_space<vmem>> -> memref<128xi32, #tpu.memory_space<vmem>>
      %dma_start3A_59 = tpu.memref_slice %arg3[%mul3A_55] : memref<160000xi32, #tpu.memory_space<hbm>> -> memref<128xi32, #tpu.memory_space<hbm>>
      %dma_start3A_60 = arith.constant 0 : i32
      %dma_start3A_61 = tpu.memref_slice %arg6[%scan3A_48, %dma_start3A_60] : memref<40x128xi32, #tpu.memory_space<vmem>> -> memref<1x128xi32, #tpu.memory_space<vmem>>
      %dma_start3A_62 = tpu.memref_squeeze %dma_start3A_61 : memref<1x128xi32, #tpu.memory_space<vmem>> -> memref<128xi32, #tpu.memory_space<vmem>>
      %dma_start3A_63 = tpu.memref_slice %arg3[%mul3A_55] : memref<160000xi32, #tpu.memory_space<hbm>> -> memref<128xi32, #tpu.memory_space<hbm>>
      tpu.enqueue_dma source(%dma_start3A_63 : memref<128xi32, #tpu.memory_space<hbm>>) target(%dma_start3A_62 : memref<128xi32, #tpu.memory_space<vmem>>) target_semaphore(%arg9 : memref<!tpu.dma_semaphore, #tpu.memory_space<semaphore_mem>>)
    }
    %scan3A_11 = arith.constant 40 : i32
    %scan3A_12 = arith.constant 0 : i32
    %scan3A_13 = arith.constant 0 : i32
    %scan3A_14 = arith.constant 40 : i32
    %scan3A_15 = arith.addi %scan3A_13, %scan3A_14 : i32
    %scan3A_16 = arith.constant 1 : i32
    scf.for %scan3A_48 = %scan3A_13 to %scan3A_15 step %scan3A_16  : i32 {
      %dma_wait3A = arith.constant 0 : i32
      %dma_wait3A_49 = tpu.memref_slice %arg6[%scan3A_48, %dma_wait3A] : memref<40x128xi32, #tpu.memory_space<vmem>> -> memref<1x128xi32, #tpu.memory_space<vmem>>
      %dma_wait3A_50 = tpu.memref_squeeze %dma_wait3A_49 : memref<1x128xi32, #tpu.memory_space<vmem>> -> memref<128xi32, #tpu.memory_space<vmem>>
      %dma_wait3A_51 = arith.constant 0 : i32
      %dma_wait3A_52 = tpu.memref_slice %arg3[%dma_wait3A_51] : memref<160000xi32, #tpu.memory_space<hbm>> -> memref<128xi32, #tpu.memory_space<hbm>>
      %dma_wait3A_53 = arith.constant 0 : i32
      %dma_wait3A_54 = tpu.memref_slice %arg6[%scan3A_48, %dma_wait3A_53] : memref<40x128xi32, #tpu.memory_space<vmem>> -> memref<1x128xi32, #tpu.memory_space<vmem>>
      %dma_wait3A_55 = tpu.memref_squeeze %dma_wait3A_54 : memref<1x128xi32, #tpu.memory_space<vmem>> -> memref<128xi32, #tpu.memory_space<vmem>>
      %dma_wait3A_56 = arith.constant 0 : i32
      %dma_wait3A_57 = tpu.memref_slice %arg3[%dma_wait3A_56] : memref<160000xi32, #tpu.memory_space<hbm>> -> memref<128xi32, #tpu.memory_space<hbm>>
      tpu.wait_dma2 semaphore(%arg9 : memref<!tpu.dma_semaphore, #tpu.memory_space<semaphore_mem>>) src(%dma_wait3A_57 : memref<128xi32, #tpu.memory_space<hbm>>) dst(%dma_wait3A_55 : memref<128xi32, #tpu.memory_space<vmem>>)
    }
    %scan3A_17 = arith.constant 40 : i32
    %barrier3A = arith.constant 0 : index
    tpu.barrier barrier_id(%barrier3A)
    %add3A_18 = arith.constant 0 : i32
    %add3A_19 = arith.addi %add3A, %add3A_18 : i32
    %min3A = arith.constant 1249 : i32
    %min3A_20 = arith.minsi %add3A_19, %min3A : i32
    %mul3A_21 = arith.constant 128 : i32
    %mul3A_22 = arith.muli %min3A_20, %mul3A_21 : i32
    %dma_start3A = arith.constant 0 : i32
    %dma_start3A_23 = arith.constant 0 : i32
    %dma_start3A_24 = arith.constant 0 : i32
    %dma_start3A_25 = tpu.memref_slice %arg7[%dma_start3A, %dma_start3A_23, %dma_start3A_24] : memref<2x128x128xf32, #tpu.memory_space<vmem>> -> memref<1x128x128xf32, #tpu.memory_space<vmem>>
    %dma_start3A_26 = tpu.memref_squeeze %dma_start3A_25 : memref<1x128x128xf32, #tpu.memory_space<vmem>> -> memref<128x128xf32, #tpu.memory_space<vmem>>
    %dma_start3A_27 = arith.constant 0 : i32
    %dma_start3A_28 = tpu.memref_slice %arg2[%mul3A_22, %dma_start3A_27] : memref<160000x128xf32, #tpu.memory_space<hbm>> -> memref<128x128xf32, #tpu.memory_space<hbm>>
    %dma_start3A_29 = arith.constant 0 : i32
    %dma_start3A_30 = arith.constant 0 : i32
    %dma_start3A_31 = tpu.memref_slice %arg7[%dma_start3A, %dma_start3A_29, %dma_start3A_30] : memref<2x128x128xf32, #tpu.memory_space<vmem>> -> memref<1x128x128xf32, #tpu.memory_space<vmem>>
    %dma_start3A_32 = tpu.memref_squeeze %dma_start3A_31 : memref<1x128x128xf32, #tpu.memory_space<vmem>> -> memref<128x128xf32, #tpu.memory_space<vmem>>
    %dma_start3A_33 = arith.constant 0 : i32
    %dma_start3A_34 = tpu.memref_slice %arg2[%mul3A_22, %dma_start3A_33] : memref<160000x128xf32, #tpu.memory_space<hbm>> -> memref<128x128xf32, #tpu.memory_space<hbm>>
    tpu.enqueue_dma source(%dma_start3A_34 : memref<128x128xf32, #tpu.memory_space<hbm>>) target(%dma_start3A_32 : memref<128x128xf32, #tpu.memory_space<vmem>>) target_semaphore(%arg10 : memref<!tpu.dma_semaphore, #tpu.memory_space<semaphore_mem>>)
    %scan3A_35 = arith.constant 0 : i32
    %scan3A_36 = arith.constant 0 : i32
    %scan3A_37 = arith.constant 40 : i32
    %scan3A_38 = arith.addi %scan3A_36, %scan3A_37 : i32
    %scan3A_39 = arith.constant 1 : i32
    scf.for %scan3A_48 = %scan3A_36 to %scan3A_38 step %scan3A_39  : i32 {
      %jit3A = arith.constant 2 : i32
      %eq3A = arith.constant 0 : i32
      %eq3A_49 = arith.cmpi eq, %jit3A, %eq3A : i32
      %jit3A_50 = arith.constant 1 : i32
      %select_n3A = arith.select %eq3A_49, %jit3A_50, %jit3A : i32
      %rem3A = arith.remsi %scan3A_48, %select_n3A : i32
      %ne3A = arith.constant 0 : i32
      %ne3A_51 = arith.cmpi ne, %rem3A, %ne3A : i32
      %lt3A = arith.constant 0 : i32
      %lt3A_52 = arith.cmpi slt, %rem3A, %lt3A : i32
      %lt3A_53 = arith.constant 0 : i32
      %lt3A_54 = arith.cmpi slt, %select_n3A, %lt3A_53 : i32
      %ne3A_55 = arith.xori %lt3A_52, %lt3A_54 : i1
      %and3A = arith.andi %ne3A_55, %ne3A_51 : i1
      %add3A_56 = arith.addi %rem3A, %select_n3A : i32
      %select_n3A_57 = arith.select %and3A, %add3A_56, %rem3A : i32
      %dma_wait3A = arith.constant 0 : i32
      %dma_wait3A_58 = arith.constant 0 : i32
      %dma_wait3A_59 = tpu.memref_slice %arg7[%select_n3A_57, %dma_wait3A, %dma_wait3A_58] : memref<2x128x128xf32, #tpu.memory_space<vmem>> -> memref<1x128x128xf32, #tpu.memory_space<vmem>>
      %dma_wait3A_60 = tpu.memref_squeeze %dma_wait3A_59 : memref<1x128x128xf32, #tpu.memory_space<vmem>> -> memref<128x128xf32, #tpu.memory_space<vmem>>
      %dma_wait3A_61 = arith.constant 0 : i32
      %dma_wait3A_62 = arith.constant 0 : i32
      %dma_wait3A_63 = tpu.memref_slice %arg2[%dma_wait3A_61, %dma_wait3A_62] : memref<160000x128xf32, #tpu.memory_space<hbm>> -> memref<128x128xf32, #tpu.memory_space<hbm>>
      %dma_wait3A_64 = arith.constant 0 : i32
      %dma_wait3A_65 = arith.constant 0 : i32
      %dma_wait3A_66 = tpu.memref_slice %arg7[%select_n3A_57, %dma_wait3A_64, %dma_wait3A_65] : memref<2x128x128xf32, #tpu.memory_space<vmem>> -> memref<1x128x128xf32, #tpu.memory_space<vmem>>
      %dma_wait3A_67 = tpu.memref_squeeze %dma_wait3A_66 : memref<1x128x128xf32, #tpu.memory_space<vmem>> -> memref<128x128xf32, #tpu.memory_space<vmem>>
      %dma_wait3A_68 = arith.constant 0 : i32
      %dma_wait3A_69 = arith.constant 0 : i32
      %dma_wait3A_70 = tpu.memref_slice %arg2[%dma_wait3A_68, %dma_wait3A_69] : memref<160000x128xf32, #tpu.memory_space<hbm>> -> memref<128x128xf32, #tpu.memory_space<hbm>>
      tpu.wait_dma2 semaphore(%arg10 : memref<!tpu.dma_semaphore, #tpu.memory_space<semaphore_mem>>) src(%dma_wait3A_70 : memref<128x128xf32, #tpu.memory_space<hbm>>) dst(%dma_wait3A_67 : memref<128x128xf32, #tpu.memory_space<vmem>>)
      %add3A_71 = arith.constant 1 : i32
      %add3A_72 = arith.addi %scan3A_48, %add3A_71 : i32
      %lt3A_73 = arith.constant 40 : i32
      %lt3A_74 = arith.cmpi slt, %add3A_72, %lt3A_73 : i32
      %convert_element_type3A = arith.extui %lt3A_74 : i1 to i32
      %cond3A = arith.constant 0 : i32
      %cond3A_75 = arith.cmpi ne, %convert_element_type3A, %cond3A : i32
      scf.if %cond3A_75 {
        %add3A_84 = arith.constant 1 : i32
        %add3A_85 = arith.addi %scan3A_48, %add3A_84 : i32
        %mul3A_86 = arith.constant 32 : i32
        %mul3A_87 = arith.muli %add3A_85, %mul3A_86 : i32
        %add3A_88 = arith.addi %add3A, %mul3A_87 : i32
        %min3A_89 = arith.constant 1249 : i32
        %min3A_90 = arith.minsi %add3A_88, %min3A_89 : i32
        %mul3A_91 = arith.constant 128 : i32
        %mul3A_92 = arith.muli %min3A_90, %mul3A_91 : i32
        %jit3A_93 = arith.constant 2 : i32
        %eq3A_94 = arith.constant 0 : i32
        %eq3A_95 = arith.cmpi eq, %jit3A_93, %eq3A_94 : i32
        %jit3A_96 = arith.constant 1 : i32
        %select_n3A_97 = arith.select %eq3A_95, %jit3A_96, %jit3A_93 : i32
        %rem3A_98 = arith.remsi %add3A_85, %select_n3A_97 : i32
        %ne3A_99 = arith.constant 0 : i32
        %ne3A_100 = arith.cmpi ne, %rem3A_98, %ne3A_99 : i32
        %lt3A_101 = arith.constant 0 : i32
        %lt3A_102 = arith.cmpi slt, %rem3A_98, %lt3A_101 : i32
        %lt3A_103 = arith.constant 0 : i32
        %lt3A_104 = arith.cmpi slt, %select_n3A_97, %lt3A_103 : i32
        %ne3A_105 = arith.xori %lt3A_102, %lt3A_104 : i1
        %and3A_106 = arith.andi %ne3A_105, %ne3A_100 : i1
        %add3A_107 = arith.addi %rem3A_98, %select_n3A_97 : i32
        %select_n3A_108 = arith.select %and3A_106, %add3A_107, %rem3A_98 : i32
        %dma_start3A_109 = arith.constant 0 : i32
        %dma_start3A_110 = arith.constant 0 : i32
        %dma_start3A_111 = tpu.memref_slice %arg7[%select_n3A_108, %dma_start3A_109, %dma_start3A_110] : memref<2x128x128xf32, #tpu.memory_space<vmem>> -> memref<1x128x128xf32, #tpu.memory_space<vmem>>
        %dma_start3A_112 = tpu.memref_squeeze %dma_start3A_111 : memref<1x128x128xf32, #tpu.memory_space<vmem>> -> memref<128x128xf32, #tpu.memory_space<vmem>>
        %dma_start3A_113 = arith.constant 0 : i32
        %dma_start3A_114 = tpu.memref_slice %arg2[%mul3A_92, %dma_start3A_113] : memref<160000x128xf32, #tpu.memory_space<hbm>> -> memref<128x128xf32, #tpu.memory_space<hbm>>
        %dma_start3A_115 = arith.constant 0 : i32
        %dma_start3A_116 = arith.constant 0 : i32
        %dma_start3A_117 = tpu.memref_slice %arg7[%select_n3A_108, %dma_start3A_115, %dma_start3A_116] : memref<2x128x128xf32, #tpu.memory_space<vmem>> -> memref<1x128x128xf32, #tpu.memory_space<vmem>>
        %dma_start3A_118 = tpu.memref_squeeze %dma_start3A_117 : memref<1x128x128xf32, #tpu.memory_space<vmem>> -> memref<128x128xf32, #tpu.memory_space<vmem>>
        %dma_start3A_119 = arith.constant 0 : i32
        %dma_start3A_120 = tpu.memref_slice %arg2[%mul3A_92, %dma_start3A_119] : memref<160000x128xf32, #tpu.memory_space<hbm>> -> memref<128x128xf32, #tpu.memory_space<hbm>>
        tpu.enqueue_dma source(%dma_start3A_120 : memref<128x128xf32, #tpu.memory_space<hbm>>) target(%dma_start3A_118 : memref<128x128xf32, #tpu.memory_space<vmem>>) target_semaphore(%arg10 : memref<!tpu.dma_semaphore, #tpu.memory_space<semaphore_mem>>)
      } else {
      }
      %mul3A_76 = arith.constant 32 : i32
      %mul3A_77 = arith.muli %scan3A_48, %mul3A_76 : i32
      %add3A_78 = arith.addi %add3A, %mul3A_77 : i32
      %lt3A_79 = arith.constant 1250 : i32
      %lt3A_80 = arith.cmpi slt, %add3A_78, %lt3A_79 : i32
      %convert_element_type3A_81 = arith.extui %lt3A_80 : i1 to i32
      %cond3A_82 = arith.constant 0 : i32
      %cond3A_83 = arith.cmpi ne, %convert_element_type3A_81, %cond3A_82 : i32
      scf.if %cond3A_83 {
        "tpu.region"() ({
          %run_scoped3A_84 = tpu.sem_alloc : memref<!tpu.dma_semaphore, #tpu.memory_space<semaphore_mem>>
          %dma_start3A_85 = arith.constant 0 : i32
          %dma_start3A_86 = arith.constant 0 : i32
          %dma_start3A_87 = tpu.memref_slice %arg7[%select_n3A_57, %dma_start3A_85, %dma_start3A_86] : memref<2x128x128xf32, #tpu.memory_space<vmem>> -> memref<1x128x128xf32, #tpu.memory_space<vmem>>
          %dma_start3A_88 = tpu.memref_squeeze %dma_start3A_87 : memref<1x128x128xf32, #tpu.memory_space<vmem>> -> memref<128x128xf32, #tpu.memory_space<vmem>>
          %dma_start3A_89 = arith.constant 0 : i32
          %dma_start3A_90 = tpu.memref_slice %arg6[%scan3A_48, %dma_start3A_89] : memref<40x128xi32, #tpu.memory_space<vmem>> -> memref<1x128xi32, #tpu.memory_space<vmem>>
          %dma_start3A_91 = tpu.memref_squeeze %dma_start3A_90 : memref<1x128xi32, #tpu.memory_space<vmem>> -> memref<128xi32, #tpu.memory_space<vmem>>
          %dma_start3A_92 = arith.constant 0 : i32
          %dma_start3A_93 = arith.constant 0 : i32
          %dma_start3A_94 = tpu.memref_slice %arg8[%dma_start3A_92, %dma_start3A_93] : memref<10240x128xf32, #tpu.memory_space<vmem_shared>> -> memref<10240x128xf32, #tpu.memory_space<vmem_shared>>
          tpu.enqueue_indirect_dma source(%dma_start3A_88 : memref<128x128xf32, #tpu.memory_space<vmem>>) target(%dma_start3A_94 : memref<10240x128xf32, #tpu.memory_space<vmem_shared>>) offsets(%dma_start3A_91 : memref<128xi32, #tpu.memory_space<vmem>>) semaphore(%run_scoped3A_84 : memref<!tpu.dma_semaphore, #tpu.memory_space<semaphore_mem>>) {add = true}
          %dma_wait3A_95 = arith.constant 0 : i32
          %dma_wait3A_96 = arith.constant 0 : i32
          %dma_wait3A_97 = tpu.memref_slice %arg7[%select_n3A_57, %dma_wait3A_95, %dma_wait3A_96] : memref<2x128x128xf32, #tpu.memory_space<vmem>> -> memref<1x128x128xf32, #tpu.memory_space<vmem>>
          %dma_wait3A_98 = tpu.memref_squeeze %dma_wait3A_97 : memref<1x128x128xf32, #tpu.memory_space<vmem>> -> memref<128x128xf32, #tpu.memory_space<vmem>>
          %dma_wait3A_99 = arith.constant 0 : i32
          %dma_wait3A_100 = tpu.memref_slice %arg6[%scan3A_48, %dma_wait3A_99] : memref<40x128xi32, #tpu.memory_space<vmem>> -> memref<1x128xi32, #tpu.memory_space<vmem>>
          %dma_wait3A_101 = tpu.memref_squeeze %dma_wait3A_100 : memref<1x128xi32, #tpu.memory_space<vmem>> -> memref<128xi32, #tpu.memory_space<vmem>>
          %dma_wait3A_102 = arith.constant 0 : i32
          %dma_wait3A_103 = arith.constant 0 : i32
          %dma_wait3A_104 = tpu.memref_slice %arg8[%dma_wait3A_102, %dma_wait3A_103] : memref<10240x128xf32, #tpu.memory_space<vmem_shared>> -> memref<10240x128xf32, #tpu.memory_space<vmem_shared>>
          tpu.wait_indirect_dma semaphore(%run_scoped3A_84 : memref<!tpu.dma_semaphore, #tpu.memory_space<semaphore_mem>>) src(%dma_wait3A_98 : memref<128x128xf32, #tpu.memory_space<vmem>>) dst(%dma_wait3A_104 : memref<10240x128xf32, #tpu.memory_space<vmem_shared>>)
          tpu.yield
        }) : () -> ()
      } else {
      }
    }
    %scan3A_40 = arith.constant 40 : i32
    %barrier3A_41 = arith.constant 0 : index
    tpu.barrier barrier_id(%barrier3A_41)
    %scan3A_42 = arith.constant 0 : i32
    %scan3A_43 = arith.constant 0 : i32
    %scan3A_44 = arith.constant 5 : i32
    %scan3A_45 = arith.addi %scan3A_43, %scan3A_44 : i32
    %scan3A_46 = arith.constant 1 : i32
    scf.for %scan3A_48 = %scan3A_43 to %scan3A_45 step %scan3A_46  : i32 {
      %mul3A_49 = arith.constant 640 : i32
      %mul3A_50 = arith.muli %arg1, %mul3A_49 : i32
      %mul3A_51 = arith.constant 128 : i32
      %mul3A_52 = arith.muli %scan3A_48, %mul3A_51 : i32
      %add3A_53 = arith.addi %mul3A_50, %mul3A_52 : i32
      %run_scoped3A_54 = arith.constant 0 : i32
      "tpu.region"() ({
        %run_scoped3A_64 = tpu.sem_alloc : memref<!tpu.dma_semaphore, #tpu.memory_space<semaphore_mem>>
        %dma_start3A_65 = arith.constant 0 : i32
        %dma_start3A_66 = arith.constant 0 : i32
        %dma_start3A_67 = tpu.memref_slice %arg7[%run_scoped3A_54, %dma_start3A_65, %dma_start3A_66] : memref<2x128x128xf32, #tpu.memory_space<vmem>> -> memref<1x128x128xf32, #tpu.memory_space<vmem>>
        %dma_start3A_68 = tpu.memref_squeeze %dma_start3A_67 : memref<1x128x128xf32, #tpu.memory_space<vmem>> -> memref<128x128xf32, #tpu.memory_space<vmem>>
        %dma_start3A_69 = arith.constant 0 : i32
        %dma_start3A_70 = tpu.memref_slice %arg8[%add3A_53, %dma_start3A_69] : memref<10240x128xf32, #tpu.memory_space<vmem_shared>> -> memref<128x128xf32, #tpu.memory_space<vmem_shared>>
        %dma_start3A_71 = arith.constant 0 : i32
        %dma_start3A_72 = arith.constant 0 : i32
        %dma_start3A_73 = tpu.memref_slice %arg7[%run_scoped3A_54, %dma_start3A_71, %dma_start3A_72] : memref<2x128x128xf32, #tpu.memory_space<vmem>> -> memref<1x128x128xf32, #tpu.memory_space<vmem>>
        %dma_start3A_74 = tpu.memref_squeeze %dma_start3A_73 : memref<1x128x128xf32, #tpu.memory_space<vmem>> -> memref<128x128xf32, #tpu.memory_space<vmem>>
        %dma_start3A_75 = arith.constant 0 : i32
        %dma_start3A_76 = tpu.memref_slice %arg8[%add3A_53, %dma_start3A_75] : memref<10240x128xf32, #tpu.memory_space<vmem_shared>> -> memref<128x128xf32, #tpu.memory_space<vmem_shared>>
        tpu.enqueue_dma source(%dma_start3A_76 : memref<128x128xf32, #tpu.memory_space<vmem_shared>>) target(%dma_start3A_74 : memref<128x128xf32, #tpu.memory_space<vmem>>) target_semaphore(%run_scoped3A_64 : memref<!tpu.dma_semaphore, #tpu.memory_space<semaphore_mem>>)
        %dma_wait3A = arith.constant 0 : i32
        %dma_wait3A_77 = arith.constant 0 : i32
        %dma_wait3A_78 = tpu.memref_slice %arg7[%run_scoped3A_54, %dma_wait3A, %dma_wait3A_77] : memref<2x128x128xf32, #tpu.memory_space<vmem>> -> memref<1x128x128xf32, #tpu.memory_space<vmem>>
        %dma_wait3A_79 = tpu.memref_squeeze %dma_wait3A_78 : memref<1x128x128xf32, #tpu.memory_space<vmem>> -> memref<128x128xf32, #tpu.memory_space<vmem>>
        %dma_wait3A_80 = arith.constant 0 : i32
        %dma_wait3A_81 = tpu.memref_slice %arg8[%add3A_53, %dma_wait3A_80] : memref<10240x128xf32, #tpu.memory_space<vmem_shared>> -> memref<128x128xf32, #tpu.memory_space<vmem_shared>>
        %dma_wait3A_82 = arith.constant 0 : i32
        %dma_wait3A_83 = arith.constant 0 : i32
        %dma_wait3A_84 = tpu.memref_slice %arg7[%run_scoped3A_54, %dma_wait3A_82, %dma_wait3A_83] : memref<2x128x128xf32, #tpu.memory_space<vmem>> -> memref<1x128x128xf32, #tpu.memory_space<vmem>>
        %dma_wait3A_85 = tpu.memref_squeeze %dma_wait3A_84 : memref<1x128x128xf32, #tpu.memory_space<vmem>> -> memref<128x128xf32, #tpu.memory_space<vmem>>
        %dma_wait3A_86 = arith.constant 0 : i32
        %dma_wait3A_87 = tpu.memref_slice %arg8[%add3A_53, %dma_wait3A_86] : memref<10240x128xf32, #tpu.memory_space<vmem_shared>> -> memref<128x128xf32, #tpu.memory_space<vmem_shared>>
        tpu.wait_dma2 semaphore(%run_scoped3A_64 : memref<!tpu.dma_semaphore, #tpu.memory_space<semaphore_mem>>) src(%dma_wait3A_87 : memref<128x128xf32, #tpu.memory_space<vmem_shared>>) dst(%dma_wait3A_85 : memref<128x128xf32, #tpu.memory_space<vmem>>)
        tpu.yield
      }) : () -> ()
      %mul3A_55 = arith.constant 10240 : i32
      %mul3A_56 = arith.muli %arg0, %mul3A_55 : i32
      %mul3A_57 = arith.constant 640 : i32
      %mul3A_58 = arith.muli %arg1, %mul3A_57 : i32
      %add3A_59 = arith.addi %mul3A_56, %mul3A_58 : i32
      %mul3A_60 = arith.constant 128 : i32
      %mul3A_61 = arith.muli %scan3A_48, %mul3A_60 : i32
      %add3A_62 = arith.addi %add3A_59, %mul3A_61 : i32
      %run_scoped3A_63 = arith.constant 0 : i32
      "tpu.region"() ({
        %run_scoped3A_64 = tpu.sem_alloc : memref<!tpu.dma_semaphore, #tpu.memory_space<semaphore_mem>>
        %dma_start3A_65 = arith.constant 0 : i32
        %dma_start3A_66 = arith.constant 0 : i32
        %dma_start3A_67 = tpu.memref_slice %arg7[%run_scoped3A_63, %dma_start3A_65, %dma_start3A_66] : memref<2x128x128xf32, #tpu.memory_space<vmem>> -> memref<1x128x128xf32, #tpu.memory_space<vmem>>
        %dma_start3A_68 = tpu.memref_squeeze %dma_start3A_67 : memref<1x128x128xf32, #tpu.memory_space<vmem>> -> memref<128x128xf32, #tpu.memory_space<vmem>>
        %dma_start3A_69 = arith.constant 0 : i32
        %dma_start3A_70 = tpu.memref_slice %arg5[%add3A_62, %dma_start3A_69] : memref<20480x128xf32, #tpu.memory_space<hbm>> -> memref<128x128xf32, #tpu.memory_space<hbm>>
        %dma_start3A_71 = arith.constant 0 : i32
        %dma_start3A_72 = tpu.memref_slice %arg5[%add3A_62, %dma_start3A_71] : memref<20480x128xf32, #tpu.memory_space<hbm>> -> memref<128x128xf32, #tpu.memory_space<hbm>>
        %dma_start3A_73 = arith.constant 0 : i32
        %dma_start3A_74 = arith.constant 0 : i32
        %dma_start3A_75 = tpu.memref_slice %arg7[%run_scoped3A_63, %dma_start3A_73, %dma_start3A_74] : memref<2x128x128xf32, #tpu.memory_space<vmem>> -> memref<1x128x128xf32, #tpu.memory_space<vmem>>
        %dma_start3A_76 = tpu.memref_squeeze %dma_start3A_75 : memref<1x128x128xf32, #tpu.memory_space<vmem>> -> memref<128x128xf32, #tpu.memory_space<vmem>>
        tpu.enqueue_dma source(%dma_start3A_76 : memref<128x128xf32, #tpu.memory_space<vmem>>) target(%dma_start3A_72 : memref<128x128xf32, #tpu.memory_space<hbm>>) target_semaphore(%run_scoped3A_64 : memref<!tpu.dma_semaphore, #tpu.memory_space<semaphore_mem>>)
        %dma_wait3A = arith.constant 0 : i32
        %dma_wait3A_77 = arith.constant 0 : i32
        %dma_wait3A_78 = tpu.memref_slice %arg7[%run_scoped3A_63, %dma_wait3A, %dma_wait3A_77] : memref<2x128x128xf32, #tpu.memory_space<vmem>> -> memref<1x128x128xf32, #tpu.memory_space<vmem>>
        %dma_wait3A_79 = tpu.memref_squeeze %dma_wait3A_78 : memref<1x128x128xf32, #tpu.memory_space<vmem>> -> memref<128x128xf32, #tpu.memory_space<vmem>>
        %dma_wait3A_80 = arith.constant 0 : i32
        %dma_wait3A_81 = tpu.memref_slice %arg5[%add3A_62, %dma_wait3A_80] : memref<20480x128xf32, #tpu.memory_space<hbm>> -> memref<128x128xf32, #tpu.memory_space<hbm>>
        %dma_wait3A_82 = arith.constant 0 : i32
        %dma_wait3A_83 = tpu.memref_slice %arg5[%add3A_62, %dma_wait3A_82] : memref<20480x128xf32, #tpu.memory_space<hbm>> -> memref<128x128xf32, #tpu.memory_space<hbm>>
        %dma_wait3A_84 = arith.constant 0 : i32
        %dma_wait3A_85 = arith.constant 0 : i32
        %dma_wait3A_86 = tpu.memref_slice %arg7[%run_scoped3A_63, %dma_wait3A_84, %dma_wait3A_85] : memref<2x128x128xf32, #tpu.memory_space<vmem>> -> memref<1x128x128xf32, #tpu.memory_space<vmem>>
        %dma_wait3A_87 = tpu.memref_squeeze %dma_wait3A_86 : memref<1x128x128xf32, #tpu.memory_space<vmem>> -> memref<128x128xf32, #tpu.memory_space<vmem>>
        tpu.wait_dma2 semaphore(%run_scoped3A_64 : memref<!tpu.dma_semaphore, #tpu.memory_space<semaphore_mem>>) src(%dma_wait3A_87 : memref<128x128xf32, #tpu.memory_space<vmem>>) dst(%dma_wait3A_83 : memref<128x128xf32, #tpu.memory_space<hbm>>)
        tpu.yield
      }) : () -> ()
    }
    %scan3A_47 = arith.constant 5 : i32
    return
  }
}

module attributes {stable_mosaic.version = 14 : i64} {
  func.func @_tc2_body(%arg0: i32, %arg1: memref<2048x128xf32, #tpu.memory_space<vmem>>, %arg2: memref<2048x128xf32, #tpu.memory_space<vmem>>, %arg3: memref<2048x128xf32, #tpu.memory_space<vmem>>) attributes {dimension_semantics = [#tpu.dimension_semantics<arbitrary>], iteration_bounds = array<i64: 5>, scalar_prefetch = 0 : i64, scratch_operands = 0 : i64, tpu.core_type = #tpu.core_type<tc>, window_params = [{transform_indices = @transform_0, window_bounds = array<i64: 2048, 128>}, {transform_indices = @transform_1, window_bounds = array<i64: 2048, 128>}, {transform_indices = @transform_2, window_bounds = array<i64: 2048, 128>}]} {
    %get3A = arith.constant 0 : index
    %get3A_0 = arith.constant 0 : index
    %get3A_1 = vector.load %arg1[%get3A, %get3A_0] : memref<2048x128xf32, #tpu.memory_space<vmem>>, vector<2048x128xf32>
    %get3A_2 = arith.constant 0 : index
    %get3A_3 = arith.constant 0 : index
    %get3A_4 = vector.load %arg2[%get3A_2, %get3A_3] : memref<2048x128xf32, #tpu.memory_space<vmem>>, vector<2048x128xf32>
    %add3A = arith.addf %get3A_1, %get3A_4 : vector<2048x128xf32>
    %swap3A = arith.constant 0 : index
    %swap3A_5 = arith.constant 0 : index
    %swap3A_6 = vector.load %arg3[%swap3A, %swap3A_5] : memref<2048x128xf32, #tpu.memory_space<vmem>>, vector<2048x128xf32>
    tpu.vector_store %arg3[%swap3A, %swap3A_5], %add3A {strides = array<i32>} : memref<2048x128xf32, #tpu.memory_space<vmem>>, vector<2048x128xf32>,
    return
  }
  func.func @transform_0(%arg0: i32) -> (i32, i32) {
    %c0_i32 = arith.constant 0 : i32
    %c0_i32_0 = arith.constant 0 : i32
    return %arg0, %c0_i32 : i32, i32
  }
  func.func @transform_1(%arg0: i32) -> (i32, i32) {
    %add3A = arith.constant 5 : i32
    %add3A_0 = arith.addi %arg0, %add3A : i32
    %c0_i32 = arith.constant 0 : i32
    %c0_i32_1 = arith.constant 0 : i32
    return %add3A_0, %c0_i32 : i32, i32
  }
  func.func @transform_2(%arg0: i32) -> (i32, i32) {
    %c0_i32 = arith.constant 0 : i32
    %c0_i32_0 = arith.constant 0 : i32
    return %arg0, %c0_i32 : i32, i32
  }
}

module attributes {stable_mosaic.version = 14 : i64} {
  func.func @_tc1_body(%arg0: i32, %arg1: memref<3x3200xf32, #tpu.memory_space<vmem>>, %arg2: memref<3200x128xf32, #tpu.memory_space<vmem>>, %arg3: memref<128x128xf32, #tpu.memory_space<vmem>>, %arg4: memref<3x128xf32, #tpu.memory_space<vmem>>, %arg5: memref<1x128xf32, #tpu.memory_space<vmem>>, %arg6: memref<3200x128xf32, #tpu.memory_space<vmem>>, %arg7: memref<3200x1xf32, #tpu.memory_space<vmem>>) attributes {dimension_semantics = [#tpu.dimension_semantics<arbitrary>], iteration_bounds = array<i64: 50>, scalar_prefetch = 0 : i64, scratch_operands = 0 : i64, tpu.core_type = #tpu.core_type<tc>, window_params = [{transform_indices = @transform_0, window_bounds = array<i64: 3, 3200>}, {transform_indices = @transform_1, window_bounds = array<i64: 3200, 128>}, {pipeline_mode = #tpu.pipeline_mode<synchronous>, transform_indices = @transform_2, window_bounds = array<i64: 128, 128>}, {pipeline_mode = #tpu.pipeline_mode<synchronous>, transform_indices = @transform_3, window_bounds = array<i64: 3, 128>}, {pipeline_mode = #tpu.pipeline_mode<synchronous>, transform_indices = @transform_4, window_bounds = array<i64: 1, 128>}, {transform_indices = @transform_5, window_bounds = array<i64: 3200, 128>}, {transform_indices = @transform_6, window_bounds = array<i64: 3200, 1>}]} {
    %get3A = arith.constant 0 : index
    %get3A_0 = arith.constant 0 : index
    %get3A_1 = vector.load %arg1[%get3A, %get3A_0] : memref<3x3200xf32, #tpu.memory_space<vmem>>, vector<3x3200xf32>
    %get3A_2 = arith.constant 0 : index
    %get3A_3 = arith.constant 0 : index
    %get3A_4 = vector.load %arg4[%get3A_2, %get3A_3] : memref<3x128xf32, #tpu.memory_space<vmem>>, vector<3x128xf32>
    %dot_general3A = arith.constant dense<0.000000e+00> : vector<3200x128xf32>
    %dot_general3A_5 = tpu.matmul %get3A_1, %get3A_4, %dot_general3A {dimension_numbers = #tpu.dot_dimension_numbers<[0], [0], [1], [1], [0, 1, 1, 1], [], []>, transpose_lhs_hint = false} : vector<3x3200xf32>, vector<3x128xf32>, vector<3200x128xf32> -> vector<3200x128xf32>
    %mul3A = arith.mulf %dot_general3A_5, %dot_general3A_5 : vector<3200x128xf32>
    %reduce_sum3A = arith.constant dense<0.000000e+00> : vector<3200xf32>
    %reduce_sum3A_6 = vector.multi_reduction <add>, %mul3A, %reduce_sum3A [1] : vector<3200x128xf32> to vector<3200xf32>
    %broadcast_in_dim3A = vector.shape_cast %reduce_sum3A_6 : vector<3200xf32> to vector<3200x1xf32>
    %mul3A_7 = arith.constant 0.010416667 : f32
    %mul3A_8 = vector.broadcast %mul3A_7 : f32 to vector<3200x1xf32>
    %mul3A_9 = arith.mulf %broadcast_in_dim3A, %mul3A_8 : vector<3200x1xf32>
    %sqrt3A = math.sqrt %mul3A_9 : vector<3200x1xf32>
    %add3A = arith.constant 9.99999971E-10 : f32
    %add3A_10 = vector.broadcast %add3A : f32 to vector<3200x1xf32>
    %add3A_11 = arith.addf %sqrt3A, %add3A_10 : vector<3200x1xf32>
    %div3A = arith.constant 1.000000e+00 : f32
    %div3A_12 = vector.broadcast %div3A : f32 to vector<3200x1xf32>
    %div3A_13 = arith.divf %div3A_12, %add3A_11 : vector<3200x1xf32>
    %mul3A_14 = vector.broadcast %div3A_13 : vector<3200x1xf32> to vector<3200x128xf32>
    %mul3A_15 = arith.mulf %dot_general3A_5, %mul3A_14 : vector<3200x128xf32>
    %get3A_16 = arith.constant 0 : index
    %get3A_17 = arith.constant 0 : index
    %get3A_18 = vector.load %arg5[%get3A_16, %get3A_17] : memref<1x128xf32, #tpu.memory_space<vmem>>, vector<1x128xf32>
    %add3A_19 = vector.broadcast %get3A_18 : vector<1x128xf32> to vector<3200x128xf32>
    %add3A_20 = arith.addf %mul3A_15, %add3A_19 : vector<3200x128xf32>
    %get3A_21 = arith.constant 0 : index
    %get3A_22 = arith.constant 0 : index
    %get3A_23 = vector.load %arg2[%get3A_21, %get3A_22] : memref<3200x128xf32, #tpu.memory_space<vmem>>, vector<3200x128xf32>
    %get3A_24 = arith.constant 0 : index
    %get3A_25 = arith.constant 0 : index
    %get3A_26 = vector.load %arg3[%get3A_24, %get3A_25] : memref<128x128xf32, #tpu.memory_space<vmem>>, vector<128x128xf32>
    %dot_general3A_27 = arith.constant dense<0.000000e+00> : vector<3200x128xf32>
    %dot_general3A_28 = tpu.matmul %get3A_23, %get3A_26, %dot_general3A_27 {dimension_numbers = #tpu.dot_dimension_numbers<[1], [0], [0], [1], [0, 0, 1, 1], [], []>, transpose_lhs_hint = false} : vector<3200x128xf32>, vector<128x128xf32>, vector<3200x128xf32> -> vector<3200x128xf32>
    %mul3A_29 = arith.mulf %dot_general3A_28, %add3A_20 : vector<3200x128xf32>
    %swap3A = arith.constant 0 : index
    %swap3A_30 = arith.constant 0 : index
    %swap3A_31 = vector.load %arg6[%swap3A, %swap3A_30] : memref<3200x128xf32, #tpu.memory_space<vmem>>, vector<3200x128xf32>
    tpu.vector_store %arg6[%swap3A, %swap3A_30], %mul3A_29 {strides = array<i32>} : memref<3200x128xf32, #tpu.memory_space<vmem>>, vector<3200x128xf32>,
    %mul3A_32 = arith.constant 5.000000e-01 : f32
    %mul3A_33 = vector.broadcast %mul3A_32 : f32 to vector<3200x1xf32>
    %mul3A_34 = arith.mulf %sqrt3A, %mul3A_33 : vector<3200x1xf32>
    %mul3A_35 = arith.mulf %mul3A_34, %mul3A_34 : vector<3200x1xf32>
    %mul3A_36 = arith.mulf %mul3A_35, %mul3A_35 : vector<3200x1xf32>
    %mul3A_37 = arith.mulf %mul3A_36, %mul3A_35 : vector<3200x1xf32>
    %lt3A = arith.constant 1.000000e+00 : f32
    %lt3A_38 = vector.broadcast %lt3A : f32 to vector<3200x1xf32>
    %lt3A_39 = arith.cmpf olt, %mul3A_34, %lt3A_38 : vector<3200x1xf32>
    %mul3A_40 = arith.constant 2.800000e+01 : f32
    %mul3A_41 = vector.broadcast %mul3A_40 : f32 to vector<3200x1xf32>
    %mul3A_42 = arith.mulf %mul3A_41, %mul3A_37 : vector<3200x1xf32>
    %sub3A = arith.constant 1.000000e+00 : f32
    %sub3A_43 = vector.broadcast %sub3A : f32 to vector<3200x1xf32>
    %sub3A_44 = arith.subf %sub3A_43, %mul3A_42 : vector<3200x1xf32>
    %mul3A_45 = arith.constant 4.800000e+01 : f32
    %mul3A_46 = vector.broadcast %mul3A_45 : f32 to vector<3200x1xf32>
    %mul3A_47 = arith.mulf %mul3A_46, %mul3A_37 : vector<3200x1xf32>
    %mul3A_48 = arith.mulf %mul3A_47, %mul3A_34 : vector<3200x1xf32>
    %add3A_49 = arith.addf %sub3A_44, %mul3A_48 : vector<3200x1xf32>
    %mul3A_50 = arith.constant 2.100000e+01 : f32
    %mul3A_51 = vector.broadcast %mul3A_50 : f32 to vector<3200x1xf32>
    %mul3A_52 = arith.mulf %mul3A_51, %mul3A_37 : vector<3200x1xf32>
    %mul3A_53 = arith.mulf %mul3A_52, %mul3A_35 : vector<3200x1xf32>
    %sub3A_54 = arith.subf %add3A_49, %mul3A_53 : vector<3200x1xf32>
    %jit3A = arith.constant 0.000000e+00 : f32
    %broadcast_in_dim3A_55 = vector.broadcast %jit3A : f32 to vector<3200x1xf32>
    %select_n3A = arith.select %lt3A_39, %sub3A_54, %broadcast_in_dim3A_55 : vector<3200x1xi1>, vector<3200x1xf32>
    %swap3A_56 = arith.constant 0 : index
    %swap3A_57 = arith.constant 0 : index
    %swap3A_58 = vector.load %arg7[%swap3A_56, %swap3A_57] : memref<3200x1xf32, #tpu.memory_space<vmem>>, vector<3200x1xf32>
    tpu.vector_store %arg7[%swap3A_56, %swap3A_57], %select_n3A {strides = array<i32>} : memref<3200x1xf32, #tpu.memory_space<vmem>>, vector<3200x1xf32>,
    return
  }
  func.func @transform_0(%arg0: i32) -> (i32, i32) {
    %c0_i32 = arith.constant 0 : i32
    %c0_i32_0 = arith.constant 0 : i32
    return %c0_i32, %arg0 : i32, i32
  }
  func.func @transform_1(%arg0: i32) -> (i32, i32) {
    %c0_i32 = arith.constant 0 : i32
    %c0_i32_0 = arith.constant 0 : i32
    return %arg0, %c0_i32 : i32, i32
  }
  func.func @transform_2(%arg0: i32) -> (i32, i32) {
    %c0_i32 = arith.constant 0 : i32
    %c0_i32_0 = arith.constant 0 : i32
    %c0_i32_1 = arith.constant 0 : i32
    return %c0_i32, %c0_i32_0 : i32, i32
  }
  func.func @transform_3(%arg0: i32) -> (i32, i32) {
    %c0_i32 = arith.constant 0 : i32
    %c0_i32_0 = arith.constant 0 : i32
    %c0_i32_1 = arith.constant 0 : i32
    return %c0_i32, %c0_i32_0 : i32, i32
  }
  func.func @transform_4(%arg0: i32) -> (i32, i32) {
    %c0_i32 = arith.constant 0 : i32
    %c0_i32_0 = arith.constant 0 : i32
    %c0_i32_1 = arith.constant 0 : i32
    return %c0_i32, %c0_i32_0 : i32, i32
  }
  func.func @transform_5(%arg0: i32) -> (i32, i32) {
    %c0_i32 = arith.constant 0 : i32
    %c0_i32_0 = arith.constant 0 : i32
    return %arg0, %c0_i32 : i32, i32
  }
  func.func @transform_6(%arg0: i32) -> (i32, i32) {
    %c0_i32 = arith.constant 0 : i32
    %c0_i32_0 = arith.constant 0 : i32
    return %arg0, %c0_i32 : i32, i32
  }
}

module attributes {stable_mosaic.version = 14 : i64} {
  func.func @_tc3_body(%arg0: i32, %arg1: memref<3200x128xf32, #tpu.memory_space<vmem>>, %arg2: memref<3200x128xf32, #tpu.memory_space<vmem>>, %arg3: memref<3200x128xf32, #tpu.memory_space<vmem>>, %arg4: memref<3200x1xf32, #tpu.memory_space<vmem>>, %arg5: memref<128x256xf32, #tpu.memory_space<vmem>>, %arg6: memref<128x256xf32, #tpu.memory_space<vmem>>, %arg7: memref<1x256xf32, #tpu.memory_space<vmem>>, %arg8: memref<256x256xf32, #tpu.memory_space<vmem>>, %arg9: memref<1x256xf32, #tpu.memory_space<vmem>>, %arg10: memref<256x256xf32, #tpu.memory_space<vmem>>, %arg11: memref<1x256xf32, #tpu.memory_space<vmem>>, %arg12: memref<128x128xf32, #tpu.memory_space<vmem>>, %arg13: memref<128x96xf32, #tpu.memory_space<vmem>>, %arg14: memref<128x96xf32, #tpu.memory_space<vmem>>, %arg15: memref<3200x256xf32, #tpu.memory_space<vmem>>, %arg16: memref<96x3200xf32, #tpu.memory_space<vmem>>) attributes {dimension_semantics = [#tpu.dimension_semantics<arbitrary>], iteration_bounds = array<i64: 50>, scalar_prefetch = 0 : i64, scratch_operands = 0 : i64, tpu.core_type = #tpu.core_type<tc>, window_params = [{transform_indices = @transform_0, window_bounds = array<i64: 3200, 128>}, {transform_indices = @transform_1, window_bounds = array<i64: 3200, 128>}, {transform_indices = @transform_2, window_bounds = array<i64: 3200, 128>}, {transform_indices = @transform_3, window_bounds = array<i64: 3200, 1>}, {pipeline_mode = #tpu.pipeline_mode<synchronous>, transform_indices = @transform_4, window_bounds = array<i64: 128, 256>}, {pipeline_mode = #tpu.pipeline_mode<synchronous>, transform_indices = @transform_5, window_bounds = array<i64: 128, 256>}, {pipeline_mode = #tpu.pipeline_mode<synchronous>, transform_indices = @transform_6, window_bounds = array<i64: 1, 256>}, {pipeline_mode = #tpu.pipeline_mode<synchronous>, transform_indices = @transform_7, window_bounds = array<i64: 256, 256>}, {pipeline_mode = #tpu.pipeline_mode<synchronous>, transform_indices = @transform_8, window_bounds = array<i64: 1, 256>}, {pipeline_mode = #tpu.pipeline_mode<synchronous>, transform_indices = @transform_9, window_bounds = array<i64: 256, 256>}, {pipeline_mode = #tpu.pipeline_mode<synchronous>, transform_indices = @transform_10, window_bounds = array<i64: 1, 256>}, {pipeline_mode = #tpu.pipeline_mode<synchronous>, transform_indices = @transform_11, window_bounds = array<i64: 128, 128>}, {pipeline_mode = #tpu.pipeline_mode<synchronous>, transform_indices = @transform_12, window_bounds = array<i64: 128, 96>}, {pipeline_mode = #tpu.pipeline_mode<synchronous>, transform_indices = @transform_13, window_bounds = array<i64: 128, 96>}, {transform_indices = @transform_14, window_bounds = array<i64: 3200, 256>}, {transform_indices = @transform_15, window_bounds = array<i64: 96, 3200>}]} {
    %get3A = arith.constant 0 : index
    %get3A_0 = arith.constant 0 : index
    %get3A_1 = vector.load %arg1[%get3A, %get3A_0] : memref<3200x128xf32, #tpu.memory_space<vmem>>, vector<3200x128xf32>
    %get3A_2 = arith.constant 0 : index
    %get3A_3 = arith.constant 0 : index
    %get3A_4 = vector.load %arg2[%get3A_2, %get3A_3] : memref<3200x128xf32, #tpu.memory_space<vmem>>, vector<3200x128xf32>
    %get3A_5 = arith.constant 0 : index
    %get3A_6 = arith.constant 0 : index
    %get3A_7 = vector.load %arg3[%get3A_5, %get3A_6] : memref<3200x128xf32, #tpu.memory_space<vmem>>, vector<3200x128xf32>
    %mul3A = arith.mulf %get3A_7, %get3A_4 : vector<3200x128xf32>
    %get3A_8 = arith.constant 0 : index
    %get3A_9 = arith.constant 0 : index
    %get3A_10 = vector.load %arg5[%get3A_8, %get3A_9] : memref<128x256xf32, #tpu.memory_space<vmem>>, vector<128x256xf32>
    %dot_general3A = arith.constant dense<0.000000e+00> : vector<3200x256xf32>
    %dot_general3A_11 = tpu.matmul %get3A_1, %get3A_10, %dot_general3A {dimension_numbers = #tpu.dot_dimension_numbers<[1], [0], [0], [1], [0, 0, 1, 1], [], []>, transpose_lhs_hint = false} : vector<3200x128xf32>, vector<128x256xf32>, vector<3200x256xf32> -> vector<3200x256xf32>
    %get3A_12 = arith.constant 0 : index
    %get3A_13 = arith.constant 0 : index
    %get3A_14 = vector.load %arg6[%get3A_12, %get3A_13] : memref<128x256xf32, #tpu.memory_space<vmem>>, vector<128x256xf32>
    %dot_general3A_15 = arith.constant dense<0.000000e+00> : vector<3200x256xf32>
    %dot_general3A_16 = tpu.matmul %mul3A, %get3A_14, %dot_general3A_15 {dimension_numbers = #tpu.dot_dimension_numbers<[1], [0], [0], [1], [0, 0, 1, 1], [], []>, transpose_lhs_hint = false} : vector<3200x128xf32>, vector<128x256xf32>, vector<3200x256xf32> -> vector<3200x256xf32>
    %add3A = arith.addf %dot_general3A_11, %dot_general3A_16 : vector<3200x256xf32>
    %get3A_17 = arith.constant 0 : index
    %get3A_18 = arith.constant 0 : index
    %get3A_19 = vector.load %arg7[%get3A_17, %get3A_18] : memref<1x256xf32, #tpu.memory_space<vmem>>, vector<1x256xf32>
    %add3A_20 = vector.broadcast %get3A_19 : vector<1x256xf32> to vector<3200x256xf32>
    %add3A_21 = arith.addf %add3A, %add3A_20 : vector<3200x256xf32>
    %logistic3A = arith.negf %add3A_21 : vector<3200x256xf32>
    %logistic3A_22 = math.exp %logistic3A : vector<3200x256xf32>
    %logistic3A_23 = arith.constant 1.000000e+00 : f32
    %logistic3A_24 = vector.broadcast %logistic3A_23 : f32 to vector<3200x256xf32>
    %logistic3A_25 = arith.addf %logistic3A_24, %logistic3A_22 : vector<3200x256xf32>
    %logistic3A_26 = arith.divf %logistic3A_24, %logistic3A_25 : vector<3200x256xf32>
    %mul3A_27 = arith.mulf %add3A_21, %logistic3A_26 : vector<3200x256xf32>
    %get3A_28 = arith.constant 0 : index
    %get3A_29 = arith.constant 0 : index
    %get3A_30 = vector.load %arg8[%get3A_28, %get3A_29] : memref<256x256xf32, #tpu.memory_space<vmem>>, vector<256x256xf32>
    %dot_general3A_31 = arith.constant dense<0.000000e+00> : vector<3200x256xf32>
    %dot_general3A_32 = tpu.matmul %mul3A_27, %get3A_30, %dot_general3A_31 {dimension_numbers = #tpu.dot_dimension_numbers<[1], [0], [0], [1], [0, 0, 1, 1], [], []>, transpose_lhs_hint = false} : vector<3200x256xf32>, vector<256x256xf32>, vector<3200x256xf32> -> vector<3200x256xf32>
    %get3A_33 = arith.constant 0 : index
    %get3A_34 = arith.constant 0 : index
    %get3A_35 = vector.load %arg9[%get3A_33, %get3A_34] : memref<1x256xf32, #tpu.memory_space<vmem>>, vector<1x256xf32>
    %add3A_36 = vector.broadcast %get3A_35 : vector<1x256xf32> to vector<3200x256xf32>
    %add3A_37 = arith.addf %dot_general3A_32, %add3A_36 : vector<3200x256xf32>
    %logistic3A_38 = arith.negf %add3A_37 : vector<3200x256xf32>
    %logistic3A_39 = math.exp %logistic3A_38 : vector<3200x256xf32>
    %logistic3A_40 = arith.constant 1.000000e+00 : f32
    %logistic3A_41 = vector.broadcast %logistic3A_40 : f32 to vector<3200x256xf32>
    %logistic3A_42 = arith.addf %logistic3A_41, %logistic3A_39 : vector<3200x256xf32>
    %logistic3A_43 = arith.divf %logistic3A_41, %logistic3A_42 : vector<3200x256xf32>
    %mul3A_44 = arith.mulf %add3A_37, %logistic3A_43 : vector<3200x256xf32>
    %get3A_45 = arith.constant 0 : index
    %get3A_46 = arith.constant 0 : index
    %get3A_47 = vector.load %arg10[%get3A_45, %get3A_46] : memref<256x256xf32, #tpu.memory_space<vmem>>, vector<256x256xf32>
    %dot_general3A_48 = arith.constant dense<0.000000e+00> : vector<3200x256xf32>
    %dot_general3A_49 = tpu.matmul %mul3A_44, %get3A_47, %dot_general3A_48 {dimension_numbers = #tpu.dot_dimension_numbers<[1], [0], [0], [1], [0, 0, 1, 1], [], []>, transpose_lhs_hint = false} : vector<3200x256xf32>, vector<256x256xf32>, vector<3200x256xf32> -> vector<3200x256xf32>
    %get3A_50 = arith.constant 0 : index
    %get3A_51 = arith.constant 0 : index
    %get3A_52 = vector.load %arg11[%get3A_50, %get3A_51] : memref<1x256xf32, #tpu.memory_space<vmem>>, vector<1x256xf32>
    %add3A_53 = vector.broadcast %get3A_52 : vector<1x256xf32> to vector<3200x256xf32>
    %add3A_54 = arith.addf %dot_general3A_49, %add3A_53 : vector<3200x256xf32>
    %get3A_55 = arith.constant 0 : index
    %get3A_56 = arith.constant 0 : index
    %get3A_57 = vector.load %arg4[%get3A_55, %get3A_56] : memref<3200x1xf32, #tpu.memory_space<vmem>>, vector<3200x1xf32>
    %mul3A_58 = vector.broadcast %get3A_57 : vector<3200x1xf32> to vector<3200x256xf32>
    %mul3A_59 = arith.mulf %mul3A_58, %add3A_54 : vector<3200x256xf32>
    %swap3A = arith.constant 0 : index
    %swap3A_60 = arith.constant 0 : index
    %swap3A_61 = vector.load %arg15[%swap3A, %swap3A_60] : memref<3200x256xf32, #tpu.memory_space<vmem>>, vector<3200x256xf32>
    tpu.vector_store %arg15[%swap3A, %swap3A_60], %mul3A_59 {strides = array<i32>} : memref<3200x256xf32, #tpu.memory_space<vmem>>, vector<3200x256xf32>,
    %get3A_62 = arith.constant 0 : index
    %get3A_63 = arith.constant 0 : index
    %get3A_64 = vector.load %arg12[%get3A_62, %get3A_63] : memref<128x128xf32, #tpu.memory_space<vmem>>, vector<128x128xf32>
    %dot_general3A_65 = arith.constant dense<0.000000e+00> : vector<3200x128xf32>
    %dot_general3A_66 = tpu.matmul %get3A_7, %get3A_64, %dot_general3A_65 {dimension_numbers = #tpu.dot_dimension_numbers<[1], [0], [0], [1], [0, 0, 1, 1], [], []>, transpose_lhs_hint = false} : vector<3200x128xf32>, vector<128x128xf32>, vector<3200x128xf32> -> vector<3200x128xf32>
    %mul3A_67 = arith.mulf %dot_general3A_66, %get3A_4 : vector<3200x128xf32>
    %get3A_68 = arith.constant 0 : index
    %get3A_69 = arith.constant 0 : index
    %get3A_70 = vector.load %arg12[%get3A_68, %get3A_69] : memref<128x128xf32, #tpu.memory_space<vmem>>, vector<128x128xf32>
    %dot_general3A_71 = arith.constant dense<0.000000e+00> : vector<3200x128xf32>
    %dot_general3A_72 = tpu.matmul %get3A_4, %get3A_70, %dot_general3A_71 {dimension_numbers = #tpu.dot_dimension_numbers<[1], [0], [0], [1], [0, 0, 1, 1], [], []>, transpose_lhs_hint = false} : vector<3200x128xf32>, vector<128x128xf32>, vector<3200x128xf32> -> vector<3200x128xf32>
    %mul3A_73 = arith.mulf %get3A_7, %dot_general3A_72 : vector<3200x128xf32>
    %get3A_74 = arith.constant 0 : index
    %get3A_75 = arith.constant 0 : index
    %get3A_76 = vector.load %arg13[%get3A_74, %get3A_75] : memref<128x96xf32, #tpu.memory_space<vmem>>, vector<128x96xf32>
    %dot_general3A_77 = arith.constant dense<0.000000e+00> : vector<3200x96xf32>
    %dot_general3A_78 = tpu.matmul %mul3A_67, %get3A_76, %dot_general3A_77 {dimension_numbers = #tpu.dot_dimension_numbers<[1], [0], [0], [1], [0, 0, 1, 1], [], []>, transpose_lhs_hint = false} : vector<3200x128xf32>, vector<128x96xf32>, vector<3200x96xf32> -> vector<3200x96xf32>
    %get3A_79 = arith.constant 0 : index
    %get3A_80 = arith.constant 0 : index
    %get3A_81 = vector.load %arg14[%get3A_79, %get3A_80] : memref<128x96xf32, #tpu.memory_space<vmem>>, vector<128x96xf32>
    %dot_general3A_82 = arith.constant dense<0.000000e+00> : vector<3200x96xf32>
    %dot_general3A_83 = tpu.matmul %mul3A_73, %get3A_81, %dot_general3A_82 {dimension_numbers = #tpu.dot_dimension_numbers<[1], [0], [0], [1], [0, 0, 1, 1], [], []>, transpose_lhs_hint = false} : vector<3200x128xf32>, vector<128x96xf32>, vector<3200x96xf32> -> vector<3200x96xf32>
    %add3A_84 = arith.addf %dot_general3A_78, %dot_general3A_83 : vector<3200x96xf32>
    %transpose3A = tpu.transpose %add3A_84, [1, 0] : vector<3200x96xf32> -> vector<96x3200xf32>
    %swap3A_85 = arith.constant 0 : index
    %swap3A_86 = arith.constant 0 : index
    %swap3A_87 = vector.load %arg16[%swap3A_85, %swap3A_86] : memref<96x3200xf32, #tpu.memory_space<vmem>>, vector<96x3200xf32>
    tpu.vector_store %arg16[%swap3A_85, %swap3A_86], %transpose3A {strides = array<i32>} : memref<96x3200xf32, #tpu.memory_space<vmem>>, vector<96x3200xf32>,
    return
  }
  func.func @transform_0(%arg0: i32) -> (i32, i32) {
    %c0_i32 = arith.constant 0 : i32
    %c0_i32_0 = arith.constant 0 : i32
    return %arg0, %c0_i32 : i32, i32
  }
  func.func @transform_1(%arg0: i32) -> (i32, i32) {
    %c0_i32 = arith.constant 0 : i32
    %c0_i32_0 = arith.constant 0 : i32
    return %arg0, %c0_i32 : i32, i32
  }
  func.func @transform_2(%arg0: i32) -> (i32, i32) {
    %c0_i32 = arith.constant 0 : i32
    %c0_i32_0 = arith.constant 0 : i32
    return %arg0, %c0_i32 : i32, i32
  }
  func.func @transform_3(%arg0: i32) -> (i32, i32) {
    %c0_i32 = arith.constant 0 : i32
    %c0_i32_0 = arith.constant 0 : i32
    return %arg0, %c0_i32 : i32, i32
  }
  func.func @transform_4(%arg0: i32) -> (i32, i32) {
    %c0_i32 = arith.constant 0 : i32
    %c0_i32_0 = arith.constant 0 : i32
    %c0_i32_1 = arith.constant 0 : i32
    return %c0_i32, %c0_i32_0 : i32, i32
  }
  func.func @transform_5(%arg0: i32) -> (i32, i32) {
    %c0_i32 = arith.constant 0 : i32
    %c0_i32_0 = arith.constant 0 : i32
    %c0_i32_1 = arith.constant 0 : i32
    return %c0_i32, %c0_i32_0 : i32, i32
  }
  func.func @transform_6(%arg0: i32) -> (i32, i32) {
    %c0_i32 = arith.constant 0 : i32
    %c0_i32_0 = arith.constant 0 : i32
    %c0_i32_1 = arith.constant 0 : i32
    return %c0_i32, %c0_i32_0 : i32, i32
  }
  func.func @transform_7(%arg0: i32) -> (i32, i32) {
    %c0_i32 = arith.constant 0 : i32
    %c0_i32_0 = arith.constant 0 : i32
    %c0_i32_1 = arith.constant 0 : i32
    return %c0_i32, %c0_i32_0 : i32, i32
  }
  func.func @transform_8(%arg0: i32) -> (i32, i32) {
    %c0_i32 = arith.constant 0 : i32
    %c0_i32_0 = arith.constant 0 : i32
    %c0_i32_1 = arith.constant 0 : i32
    return %c0_i32, %c0_i32_0 : i32, i32
  }
  func.func @transform_9(%arg0: i32) -> (i32, i32) {
    %c0_i32 = arith.constant 0 : i32
    %c0_i32_0 = arith.constant 0 : i32
    %c0_i32_1 = arith.constant 0 : i32
    return %c0_i32, %c0_i32_0 : i32, i32
  }
  func.func @transform_10(%arg0: i32) -> (i32, i32) {
    %c0_i32 = arith.constant 0 : i32
    %c0_i32_0 = arith.constant 0 : i32
    %c0_i32_1 = arith.constant 0 : i32
    return %c0_i32, %c0_i32_0 : i32, i32
  }
  func.func @transform_11(%arg0: i32) -> (i32, i32) {
    %c0_i32 = arith.constant 0 : i32
    %c0_i32_0 = arith.constant 0 : i32
    %c0_i32_1 = arith.constant 0 : i32
    return %c0_i32, %c0_i32_0 : i32, i32
  }
  func.func @transform_12(%arg0: i32) -> (i32, i32) {
    %c0_i32 = arith.constant 0 : i32
    %c0_i32_0 = arith.constant 0 : i32
    %c0_i32_1 = arith.constant 0 : i32
    return %c0_i32, %c0_i32_0 : i32, i32
  }
  func.func @transform_13(%arg0: i32) -> (i32, i32) {
    %c0_i32 = arith.constant 0 : i32
    %c0_i32_0 = arith.constant 0 : i32
    %c0_i32_1 = arith.constant 0 : i32
    return %c0_i32, %c0_i32_0 : i32, i32
  }
  func.func @transform_14(%arg0: i32) -> (i32, i32) {
    %c0_i32 = arith.constant 0 : i32
    %c0_i32_0 = arith.constant 0 : i32
    return %arg0, %c0_i32 : i32, i32
  }
  func.func @transform_15(%arg0: i32) -> (i32, i32) {
    %c0_i32 = arith.constant 0 : i32
    %c0_i32_0 = arith.constant 0 : i32
    return %c0_i32, %arg0 : i32, i32
  }
}

</mosaic_0001>

<sc_bundles>
// kernel: kernel.10.cloned.1.call-start
scs
__scs_entry_jumppad:
0x0: {  	(pc) =	sbr.rel $0x88, $3  }
0x1: {  	(tag) =	ssettag $0x0;
	lr =	simm.s32 $0x1  }
0x2: {  	[smem:$0x3F95] =	sst lr;
	_ =	strace $0xD0000000  }
0x3: {  	_ = 	snop  }
0x4: {  	_ = 	snop  }
0x5: {  	_ = 	snop  }
0x6: {  	_ = 	snop  }
0x7: {  	_ = 	snop  }
__scs_overlays_trampoline_lowered:
0x8: {  	[smem:$0x3FA4] =	sst s0  }
0x9: {  	[smem:$0x3FA5] =	sst s1  }
0xa: {  	[smem:$0x3FA6] =	sst s2  }
0xb: {  	[smem:$0x3FA7] =	sst s3  }
0xc: {  	[smem:$0x3FA8] =	sst s4  }
0xd: {  	[smem:$0x3FA9] =	sst s5  }
0xe: {  	[smem:$0x3FAA] =	sst s6  }
0xf: {  	[smem:$0x3FAB] =	sst s7  }
0x10: {  	[smem:$0x3FAC] =	sst s8  }
0x11: {  	[smem:$0x3FAD] =	sst s9;
	s0 =	simm.s32 @!p0 $0x0  }
0x12: {  	s1 =	sld [smem:$0x3F93];
	s0 =	simm.s32 @p0 $0x1  }
0x13: {  	[smem:$0x3FAE] =	sst s0;
	s0 =	simm.s32 @!p1 $0x0  }
0x14: {  	s2 =	sld [smem:$0x3F92];
	s0 =	simm.s32 @p1 $0x1  }
0x15: {  	[smem:$0x3FAF] =	sst s0;
	s0 =	simm.s32 @!p2 $0x0  }
0x16: {  	s3 =	sld [smem:$0x3FDB];
	s0 =	simm.s32 @p2 $0x1  }
0x17: {  	s4 =	simm.s32 $0x1BF5;
	[smem:$0x3FB1] =	sst s0  }
0x18: {  	s0 =	sld [smem:$0x3F94];
	_ =	swait.ge [sflag:s4], $0x0  }
0x19: {  	s7 =	sld [smem:$0x3F95]  }
0x1a: {  	s8 =	sadd.s32 $0xFFFFE003, lr  }
0x1b: {  	s9 =	sadd.s32 $0xFFFFFEF7, lr;
	s5 =	simm.s32 $0xFFFFFFFF;
	p2 =	slt.u32 s8, $0xFFFFF086  }
0x1c: {  	p1 =	slt.u32 s9, $0xF7A;
	s5 =	simm.s32 @!p2 $0x0  }
0x1d: {  	s5 =	simm.s32 @p1 $0x1;
	p0 =	seq.s32 s7, s2  }
0x1e: {  	s7 =	smul.u32 @!p0 $0xF7A, s2;
	p2 =	seq.s32 @!p0 s5, $0x0  }
0x1f: {  	s9 =	smul.u32 $0xF7A, s1;
	s8 =	simm.s32 @!p0 $0x1BF5;
	p2 =	por !p2, p0  }
0x20: {  	[sflag:s8] =	ssyncset.s32 @!p0 $0xFFFFF086;
	s6 =	sadd.s32 @!p0 s3, s7;
	s7 =	simm.s32 @!p0 $0x108  }
0x21: {  	s3 =	sadd.s32 s3, s9;
	s6 =	sadd.s32 @!p0 $0x88, s6;
	s7 =	simm.s32 @p2 $0x1082  }
0x22: {  	[simem:s7], [sflag:s8] =	dma.local @!p0 [hbm:s6], $0xF7A  }
0x23: {  	s9 =	sor.u32 $0xD0000000, s2;
	s6 =	simm.s32 $0x108;
	_ =	swait.ge @!p0 [sflag:s8], $0x0  }
0x24: {  	s3 =	sadd.s32 $0x88, s3;
	s6 =	simm.s32 @!p1 $0x1082;
	[sflag:s4] =	ssyncset.s32 $0xFFFFF086  }
0x25: {  	[simem:s6], [sflag:s4] =	dma.local [hbm:s3], $0xF7A  }
0x26: {  	[smem:$0x3F95] =	sst s1;
	(tag) =	ssettag s2;
	_ =	strace s9  }
0x27: {  	s1 =	sld [smem:$0x3FA5]  }
0x28: {  	s2 =	sld [smem:$0x3FA6]  }
0x29: {  	s4 =	sld [smem:$0x3FA8]  }
0x2a: {  	p0 =	seq.s32 s5, $0x0;
	s5 =	sld [smem:$0x3FA9]  }
0x2b: {  	s6 =	sld [smem:$0x3FAA]  }
0x2c: {  	s7 =	sld [smem:$0x3FAB]  }
0x2d: {  	s3 =	simm.s32 $0x108;
	s8 =	sld [smem:$0x3FAC]  }
0x2e: {  	s3 =	simm.s32 @!p0 $0x1082;
	s9 =	sld [smem:$0x3FAD]  }
0x2f: {  	lr =	sadd.s32 s0, s3;
	s0 =	sld [smem:$0x3FA4]  }
0x30: {  	s3 =	sld [smem:$0x3FA7]  }
0x31: {  	[smem:$0x3FB0] =	sst s10  }
0x32: {  	s10 =	sld [smem:$0x3FAE];
	_ =	sdelay $0x3  }
0x33: {  	p0 =	seq.s32 s10, $0x1;
	s10 =	sld [smem:$0x3FB0];
	_ =	sdelay $0x3  }
0x34: {  	[smem:$0x3FB0] =	sst s10  }
0x35: {  	s10 =	sld [smem:$0x3FAF];
	_ =	sdelay $0x3  }
0x36: {  	p1 =	seq.s32 s10, $0x1;
	s10 =	sld [smem:$0x3FB0];
	_ =	sdelay $0x3  }
0x37: {  	[smem:$0x3FB0] =	sst s10  }
0x38: {  	s10 =	sld [smem:$0x3FB1]  }
0x39: {  	_ = 	snop;
	(pc) =	sbr.ind lr, $3  }
0x3a: {  	_ = 	snop  }
0x3b: {  	_ = 	snop  }
0x3c: {  	p2 =	seq.s32 s10, $0x1;
	s10 =	sld [smem:$0x3FB0]  }
0x3d: {  	_ =	shalt  }
0x3e: {  	_ =	shalt  }
0x3f: {  	_ =	shalt  }
0x40: {  	_ =	shalt  }
0x41: {  	_ =	shalt  }
0x42: {  	_ =	shalt  }
0x43: {  	_ =	shalt  }
0x44: {  	_ =	shalt  }
0x45: {  	_ =	shalt  }
0x46: {  	_ =	shalt  }
0x47: {  	_ =	shalt  }
0x48: {  	_ =	shalt  }
0x49: {  	_ =	shalt  }
0x4a: {  	_ =	shalt  }
0x4b: {  	_ =	shalt  }
0x4c: {  	_ =	shalt  }
0x4d: {  	_ =	shalt  }
0x4e: {  	_ =	shalt  }
0x4f: {  	_ =	shalt  }
0x50: {  	_ =	shalt  }
0x51: {  	_ =	shalt  }
0x52: {  	_ =	shalt  }
0x53: {  	_ =	shalt  }
0x54: {  	_ =	shalt  }
0x55: {  	_ =	shalt  }
0x56: {  	_ =	shalt  }
0x57: {  	_ =	shalt  }
0x58: {  	_ =	shalt  }
0x59: {  	_ =	shalt  }
0x5a: {  	_ =	shalt  }
0x5b: {  	_ =	shalt  }
0x5c: {  	_ =	shalt  }
0x5d: {  	_ =	shalt  }
0x5e: {  	_ =	shalt  }
0x5f: {  	_ =	shalt  }
0x60: {  	_ =	shalt  }
0x61: {  	_ =	shalt  }
0x62: {  	_ =	shalt  }
0x63: {  	_ =	shalt  }
0x64: {  	_ =	shalt  }
0x65: {  	_ =	shalt  }
0x66: {  	_ =	shalt  }
0x67: {  	_ =	shalt  }
0x68: {  	_ =	shalt  }
0x69: {  	_ =	shalt  }
0x6a: {  	_ =	shalt  }
0x6b: {  	_ =	shalt  }
0x6c: {  	_ =	shalt  }
0x6d: {  	_ =	shalt  }
0x6e: {  	_ =	shalt  }
0x6f: {  	_ =	shalt  }
0x70: {  	_ =	shalt  }
0x71: {  	_ =	shalt  }
0x72: {  	_ =	shalt  }
0x73: {  	_ =	shalt  }
0x74: {  	_ =	shalt  }
0x75: {  	_ =	shalt  }
0x76: {  	_ =	shalt  }
0x77: {  	_ =	shalt  }
0x78: {  	_ =	shalt  }
0x79: {  	_ =	shalt  }
0x7a: {  	_ =	shalt  }
0x7b: {  	_ =	shalt  }
0x7c: {  	_ =	shalt  }
0x7d: {  	_ =	shalt  }
0x7e: {  	_ =	shalt  }
0x7f: {  	_ =	shalt  }
0x80: {  	_ =	shalt  }
0x81: {  	_ =	shalt  }
0x82: {  	_ =	shalt  }
0x83: {  	_ =	shalt  }
0x84: {  	_ =	shalt  }
0x85: {  	_ =	shalt  }
0x86: {  	_ =	shalt  }
0x87: {  	_ =	shalt  }
.Lfunc_end0:
.L_simem_size_0:
called_computation.1_lowered:
.L_overlay_start_0:
0x88: {  	s2 =	sld [smem:$0x3FD9]  }
0x89: {  	s3 =	sld [smem:$0x3FFE];
	_ =	sdelay $0x1  }
0x8a: {  	s1 =	srdreg.scid  }
0x8b: {  	s0 =	sand.u32 $0x1, s1  }
0x8c: {  	s14 =	sshll.u32 s0, $0xA;
	s2 =	sadd.s32 s3, s2  }
0x8d: {  	s2 =	sadd.s32 s2, s14  }
0x8e: {  	[smem:$0x3FBC] =	sst s2  }
0x8f: {  	_ = 	snop  }
0x90: {  	s2 =	sld [smem:$0x3FD0];
	_ =	sdelay $0x2  }
0x91: {  	s4 =	simm.s32 $0xA;
	s5 =	simm.s32 $0x10;
	s15 =	sld [smem:$0x3FC6]  }
0x92: {  	[smem:s5], [sflag:s4] =	dma.local [hbm:s2], $0x1  }
0x93: {  	_ =	swait.eq [sflag:s4], $0x1  }
0x94: {  	[sflag:s4] =	ssyncset.done $0x0  }
0x95: {  	[sflag:s4] =	ssyncadd.s32 $0xFFFFFFFF  }
0x96: {  	s16 =	sld [smem:$0x11];
	(tm) =	ssettm $0x1  }
0x97: {  	s17 =	sld [smem:$0x3FFB];
	_ =	sdelay $0x3  }
0x98: {  	_ =	strace s17  }
0x99: {  	s4 =	sld [smem:$0x3FFC];
	_ =	sdelay $0x3  }
0x9a: {  	_ =	strace s4  }
0x9b: {  	s4 =	sld [smem:$0x3FFD];
	_ =	sdelay $0x3  }
0x9c: {  	_ =	strace s4  }
0x9d: {  	_ =	strace $0x8FFFFFFF  }
0x9e: {  	s18 =	sld [smem:$0x3FDB];
	_ =	sdelay $0x1  }
0x9f: {  	s19 =	simm.s32 $_scs_section_size  }
0xa0: {  	s6 =	simm.s32 $_size__tile_overlayer_lowered;
	s7 =	simm.s32 $_tile_overlayer_lowered  }
0xa1: {  	s22 =	simm.s32 $0x1BFF;
	s21 =	sshll.u32 s7, $0x1;
	s4 =	sadd.s32 s19, s18  }
0xa2: {  	s8 =	simm.s32 $0x0;
	s20 =	sshll.u32 s6, $0x1;
	s6 =	sadd.s32 s21, s4  }
0xa3: {  	[timem:s8], [sflag:s22] =	dma.local [hbm:s6], s20  }
0xa4: {  	_ =	swait.ge [sflag:s22], s20  }
0xa5: {  	s5 =	ssub.s32 $0x0, s20;
	[sflag:s22] =	ssyncset.done $0x0  }
0xa6: {  	[sflag:s22] =	ssyncadd.s32 s5;
	_ =	sdelay $0x1  }
0xa7: {  	s23 =	simm.s32 $0x1B8B  }
0xa8: {  	_ =	swait.ge [sflag:s23], $0x1  }
0xa9: {  	[sflag:s23] =	ssyncset.done $0x0  }
0xaa: {  	s25 =	simm.s32 $0x1B8E;
	s24 =	sld [smem:$0x3FFE];
	[sflag:s23] =	ssyncadd.s32 $0xFFFFFFFF  }
0xab: {  	s26 =	simm.s32 $execute0_lowered;
	[smem:$0x3FD2] =	sst s25  }
0xac: {  	s6 =	sshll.u32 s26, $0x1;
	_ =	strace $0x80000049;
	[dreg:$0x1] =	wrdreg $0xFFFFFFFF  }
0xad: {  	s28 =	simm.s32 $_size_execute0_lowered;
	s4 =	sadd.s32 s4, s6;
	[dreg:$0x0] =	wrdreg $0x0  }
0xae: {  	s6 =	sshll.u32 s28, $0x1;
	[dreg:$0x2] =	wrdreg s4  }
0xaf: {  	[dreg:$0x3] =	wrdreg s6  }
0xb0: {  	[dreg:$0x4] =	wrdreg $0xC0  }
0xb1: {  	_ =	task [dreg:s8], $0x5FFFF  }
0xb2: {  	[dreg:$0x1] =	wrdreg $0xFFFFFFFF  }
0xb3: {  	[dreg:$0x0] =	wrdreg $0x60  }
0xb4: {  	[dreg:$0x2] =	wrdreg s16  }
0xb5: {  	[dreg:$0x3] =	wrdreg s15  }
0xb6: {  	[dreg:$0x4] =	wrdreg s24  }
0xb7: {  	[dreg:$0x5] =	wrdreg $0x9  }
0xb8: {  	_ =	task.clear_ibuf [dreg:s8], $0x6FFFF;
	_ =	strace $0x90000049  }
0xb9: {  	s29 =	simm.s32 $0x9;
	_ =	strace $0x8000004B  }
0xba: {  	_ =	swait.ge [sflag:s29], $0x1  }
0xbb: {  	[sflag:s29] =	ssyncadd.s32 $0xFFFFFFFF  }
0xbc: {  	_ =	strace $0x9000004B  }
0xbd: {  	_ =	sfence  }
0xbe: {  	s30 =	sld [smem:$0x0];
	_ =	sdelay $0x2  }
0xbf: {  	s31 =	sshll.u32 s1, $0xD;
	s1 =	sshrl.u32 s1, $0x2  }
0xc0: {  	s3 =	sand.u32 $0x4000, s31;
	s1 =	sadd.s32 s1, s30  }
0xc1: {  	s0 =	sor.u32 s3, s0;
	s1 =	sshll.u32 s1, $0x11  }
0xc2: {  	s0 =	sor.u32 s1, s0  }
0xc3: {  	s0 =	sadd.s32 $0x8F2B, s0  }
0xc4: {  	[sflag:s0] =	ssyncadd.remote.s32 $0x1  }
0xc5: {  	_ =	sfence.sel $0xFFFF  }
0xc6: {  	[dreg:$0x0] =	wrdreg $0xFFFFFFFF;
	(pc) =	sbr.abs _section_cstart, $3  }
0xc7: {  	[dreg:$0x1] =	wrdreg $0xFFFFFFFF  }
0xc8: {  	_ =	task.clear_ibuf [dreg:s8], $0x2FFFF;
	_ =	strace $0x9FFFFFFF  }
0xc9: {  	(tm) =	ssettm $0x7FFFFFFF  }
tec
execute0_lowered:
.L_overlay_start_1:
0x0: {  	(tag) =	ssettag $0x1  }
0x1: {  	s1 =	rddreg [dreg:$0x0]  }
0x2: {  	s2 =	rddreg [dreg:$0x1];
	s0 =	srdreg.scid  }
0x3: {  	s4 =	rddreg [dreg:$0x2];
	s3 =	simm.s32 $0x0;
	s11 =	stileid.u32  }
0x4: {  	s8 =	simm.s32 $0x80;
	s9 =	simm.s32 $0x1400;
	s10 =	simm.s32 $0x2  }
.Ltmp0:
0x5: {  	s5 =	sand.u32 $0x1, s0;
	s0 =	rddreg [dreg:$0x3];
	(pc) =	sbr.rel .LBB2_1-.Ltmp0, $4  }
0x6: {  	[smem:$0x7FF] =	sst s3;
	s31 =	sshll.u32 s11, $0x1;
	s6 =	ssub.s32 $0x2, s5  }
0x7: {  	s4 =	sadd.s32 $0x271800, s4;
	p0 =	sne.s32 s11, $0x0;
	s7 =	sshrl.u32 s6, $0x1  }
0x8: {  	s11 =	simm.s32 $0x0;
	_ =	strace $0x8000004A;
	s6 =	ssub.s32 s6, s7  }
0x9: {  	s5 =	sor.u32 s5, s31;
	s7 =	simm.s32 $0x1;
	s6 =	smax.u32 s6, $0x1  }
.LBB2_9:
0xa: {  	s11 =	sadd.s32 $0x1, s11  }
0xb: {  	p1 =	sne.s32 s11, s6  }
.Ltmp1:
0xc: {  	_ = 	snop;
	(pc) =	sbr.rel @!p1 .LBB2_10-.Ltmp1, $4  }
0xd: {  	s12 =	simm.s32 @!p0 $0x3  }
0xe: {  	_ =	swait.ge @!p0 [sflag:s12], $0x4000  }
0xf: {  	[sflag:s12] =	ssyncset.done @!p0 $0x0  }
0x10: {  	[sflag:s12] =	ssyncadd.s32 @!p0 $0xFFFFC000  }
.LBB2_1:
0x11: {  	s12 =	sadd.s32 $0x0, s5  }
0x12: {  	p1 =	slt.s32 s12, $0x4E1  }
0x13: {  	s12 =	simm.s32 @!p1 $0x4E1  }
0x14: {  	s12 =	sshll.u32 s12, $0x4  }
0x15: {  	s12 =	sadd.s32 s2, s12  }
0x16: {  	[tilespmem:s3], [sflag:$0x1] =	stream.linear.gather [hbm4b:s12+s3], $0x80, $0x38;
	[tilespmem:$0x9400] =	vst v63  }
0x17: {  	s13 =	simm.s32 $0x0;
	s12 =	simm.s32 $0x20  }
.LBB2_2:
0x18: {  	s14 =	sadd.s32 s12, s5;
	p1 =	sne.s32 s12, $0x4E0;
	s12 =	sadd.s32 $0x20, s12  }
.Ltmp2:
0x19: {  	p2 =	slt.s32 s14, $0x4E1;
	(pc) =	sbr.rel @p1 .LBB2_2-.Ltmp2, $4  }
0x1a: {  	s14 =	simm.s32 @!p2 $0x4E1  }
0x1b: {  	s14 =	sshll.u32 s14, $0x4  }
0x1c: {  	s13 =	sadd.s32 $0x80, s13;
	s14 =	sadd.s32 s2, s14  }
0x1d: {  	[tilespmem:s13], [sflag:$0x1] =	stream.linear.gather [hbm4b:s14+s3], $0x80, $0x38;
	[tilespmem:$0x9400] =	vst v63  }
0x1e: {  	_ =	swait.ge [sflag:s7], $0x80  }
0x1f: {  	s12 =	simm.s32 $0x27;
	[sflag:s7] =	ssyncset.done $0x0  }
.LBB2_4:
0x20: {  	p1 =	sne.s32 s12, $0x1;
	s12 =	sadd.s32 $0xFFFFFFFF, s12;
	[sflag:s7] =	ssyncadd.s32 $0xFFFFFF80  }
.Ltmp3:
0x21: {  	(pc) =	sbr.rel @p1 .LBB2_4-.Ltmp3, $3  }
0x22: {  	_ =	sdelay $0x1  }
0x23: {  	_ =	swait.ge [sflag:s7], $0x80  }
0x24: {  	[sflag:s7] =	ssyncset.done $0x0  }
.Ltmp4:
0x25: {  	(pc) =	sbr.rel .LBB2_6-.Ltmp4, $3  }
0x26: {  	_ =	sdelay $0x1  }
0x27: {  	[sflag:s7] =	ssyncadd.s32 $0xFFFFFF80;
	s12 =	simm.s32 $0x0  }
0x28: {  	[tilespmem:s9], [sflag:$0x2] =	stream.indirect.gather [hbm4b:s1+s8], $0x80, s12, s8, $0xb8;
	[tilespmem:$0x9400] =	vst v63  }
.LBB2_8:
0x29: {  	s14 =	sshll.u32 s12, $0x5  }
0x2a: {  	s14 =	sor.u32 s5, s14  }
0x2b: {  	s31 =	sshll.u32 s12, $0xE;
	p1 =	sgt.u32 s14, $0x4E1  }
0x2c: {  	s12 =	sand.u32 $0x4000, s31;
	s14 =	sshll.u32 @!p1 s14, $0xB  }
0x2d: {  	s12 =	sor.u32 $0x1400, s12;
	s15 =	simm.s32 @!p1 $0x0;
	s14 =	sadd.s32 @!p1 s4, s14  }
0x2e: {  	[hbm4b:s14+s15] =	stream.linear.scatter @!p1 [tilespmem:s12], [sflag:$0x3], $0x4000, $0x38;
	[tilespmem:$0x9400] =	vst v63  }
0x2f: {  	p1 =	slt.u32 s13, $0x28  }
.Ltmp5:
0x30: {  	_ = 	snop;
	(pc) =	sbr.rel @!p1 .LBB2_9-.Ltmp5, $2  }
0x31: {  	_ =	sdelay $0x2  }
0x32: {  	s12 =	smov.u32 s13  }
.LBB2_6:
0x33: {  	p1 =	seq.s32 s12, $0x0  }
0x34: {  	p2 =	seq.s32 @!p1 s12, $0x27  }
0x35: {  	_ =	swait.ge [sflag:s10], $0x4000;
	p2 =	por p1, !p2  }
.Ltmp6:
0x36: {  	[sflag:s10] =	ssyncset.done $0x0;
	(pc) =	sbr.rel @!p2 .LBB2_8-.Ltmp6, $4  }
0x37: {  	s13 =	simm.s32 @!p1 $0x3;
	[sflag:s10] =	ssyncadd.s32 $0xFFFFC000  }
0x38: {  	_ =	swait.ge @!p1 [sflag:s13], $0x4000  }
0x39: {  	[sflag:s13] =	ssyncset.done @!p1 $0x0  }
0x3a: {  	[sflag:s13] =	ssyncadd.s32 @!p1 $0xFFFFC000;
	s13 =	simm.s32 @!p1 $0x28  }
0x3b: {  	s13 =	sadd.s32 @!p1 $0x1, s12  }
.Ltmp7:
0x3c: {  	s13 =	simm.s32 @p1 $0x1;
	(pc) =	sbr.rel .LBB2_8-.Ltmp7, $4  }
0x3d: {  	s14 =	sshll.u32 s13, $0xE  }
0x3e: {  	s15 =	sshll.u32 s13, $0x7;
	s14 =	sand.u32 $0x4000, s14  }
0x3f: {  	s15 =	sand.u32 $0x3FFFFF80, s15;
	s14 =	sor.u32 $0x1400, s14  }
0x40: {  	[tilespmem:s14], [sflag:$0x2] =	stream.indirect.gather [hbm4b:s1+s8], $0x80, s15, s8, $0xb8;
	[tilespmem:$0x9400] =	vst v63  }
.LBB2_10:
0x41: {  	_ =	sfence.sel $0x180000  }
0x42: {  	[bflag:$0x0] =	sbarrier.arrive $0xFFFF  }
0x43: {  	_ =	strace $0x9000004A  }
0x44: {  	s0 =	sadd.s32 @!p0 $0x100000, s0;
	[bflag:$0x2] =	sbarrier.arrive $0xFFFF  }
0x45: {  	[sflag:s0] =	ssyncadd.tile.s32 @!p0 $0x1;
	_ =	shalt  }
.Lfunc_end2:
_tile_overlayer_lowered:
.L_overlay_start_2:
0x46: {  	(tag) =	ssettag $0x2  }
0x47: {  	s0 =	rddreg [dreg:$0x0];
	s2 =	stileid.u32  }
0x48: {  	s1 =	rddreg [dreg:$0x1];
	p0 =	sne.s32 s2, $0x0  }
0x49: {  	s3 =	rddreg [dreg:$0x2];
	[bflag:$0x3] =	sbarrier.arrive $0xFFFF;
	s2 =	simm.s32 @!p0 $0x1C04  }
0x4a: {  	[timem:s3], [sflag:s2] =	dma.local @!p0 [hbm:s0], s1  }
0x4b: {  	s0 =	simm.s32 @!p0 $0x4  }
0x4c: {  	_ =	swait.ge @!p0 [sflag:s0], s1  }
0x4d: {  	s1 =	ssub.s32 @!p0 $0x0, s1;
	[sflag:s0] =	ssyncset.done @!p0 $0x0  }
0x4e: {  	[sflag:s0] =	ssyncadd.s32 @!p0 s1  }
0x4f: {  	[bflag:$0x3] =	sbarrier.arrive $0xFFFF  }
0x50: {  	_ =	shalt  }

// kernel: kernel.7.cloned.1.call-start
scs
__scs_entry_jumppad:
0x0: {  	(pc) =	sbr.rel $0x88, $3  }
0x1: {  	(tag) =	ssettag $0x0;
	lr =	simm.s32 $0x1  }
0x2: {  	[smem:$0x3F95] =	sst lr;
	_ =	strace $0xD0000000  }
0x3: {  	_ = 	snop  }
0x4: {  	_ = 	snop  }
0x5: {  	_ = 	snop  }
0x6: {  	_ = 	snop  }
0x7: {  	_ = 	snop  }
__scs_overlays_trampoline_lowered:
0x8: {  	[smem:$0x3FA4] =	sst s0  }
0x9: {  	[smem:$0x3FA5] =	sst s1  }
0xa: {  	[smem:$0x3FA6] =	sst s2  }
0xb: {  	[smem:$0x3FA7] =	sst s3  }
0xc: {  	[smem:$0x3FA8] =	sst s4  }
0xd: {  	[smem:$0x3FA9] =	sst s5  }
0xe: {  	[smem:$0x3FAA] =	sst s6  }
0xf: {  	[smem:$0x3FAB] =	sst s7  }
0x10: {  	[smem:$0x3FAC] =	sst s8  }
0x11: {  	[smem:$0x3FAD] =	sst s9;
	s0 =	simm.s32 @!p0 $0x0  }
0x12: {  	s1 =	sld [smem:$0x3F93];
	s0 =	simm.s32 @p0 $0x1  }
0x13: {  	[smem:$0x3FAE] =	sst s0;
	s0 =	simm.s32 @!p1 $0x0  }
0x14: {  	s2 =	sld [smem:$0x3F92];
	s0 =	simm.s32 @p1 $0x1  }
0x15: {  	[smem:$0x3FAF] =	sst s0;
	s0 =	simm.s32 @!p2 $0x0  }
0x16: {  	s3 =	sld [smem:$0x3FDB];
	s0 =	simm.s32 @p2 $0x1  }
0x17: {  	s4 =	simm.s32 $0x1BF5;
	[smem:$0x3FB1] =	sst s0  }
0x18: {  	s0 =	sld [smem:$0x3F94];
	_ =	swait.ge [sflag:s4], $0x0  }
0x19: {  	s7 =	sld [smem:$0x3F95]  }
0x1a: {  	s8 =	sadd.s32 $0xFFFFE003, lr  }
0x1b: {  	s9 =	sadd.s32 $0xFFFFFEF7, lr;
	s5 =	simm.s32 $0xFFFFFFFF;
	p2 =	slt.u32 s8, $0xFFFFF086  }
0x1c: {  	p1 =	slt.u32 s9, $0xF7A;
	s5 =	simm.s32 @!p2 $0x0  }
0x1d: {  	s5 =	simm.s32 @p1 $0x1;
	p0 =	seq.s32 s7, s2  }
0x1e: {  	s7 =	smul.u32 @!p0 $0xF7A, s2;
	p2 =	seq.s32 @!p0 s5, $0x0  }
0x1f: {  	s9 =	smul.u32 $0xF7A, s1;
	s8 =	simm.s32 @!p0 $0x1BF5;
	p2 =	por !p2, p0  }
0x20: {  	[sflag:s8] =	ssyncset.s32 @!p0 $0xFFFFF086;
	s6 =	sadd.s32 @!p0 s3, s7;
	s7 =	simm.s32 @!p0 $0x108  }
0x21: {  	s3 =	sadd.s32 s3, s9;
	s6 =	sadd.s32 @!p0 $0x88, s6;
	s7 =	simm.s32 @p2 $0x1082  }
0x22: {  	[simem:s7], [sflag:s8] =	dma.local @!p0 [hbm:s6], $0xF7A  }
0x23: {  	s9 =	sor.u32 $0xD0000000, s2;
	s6 =	simm.s32 $0x108;
	_ =	swait.ge @!p0 [sflag:s8], $0x0  }
0x24: {  	s3 =	sadd.s32 $0x88, s3;
	s6 =	simm.s32 @!p1 $0x1082;
	[sflag:s4] =	ssyncset.s32 $0xFFFFF086  }
0x25: {  	[simem:s6], [sflag:s4] =	dma.local [hbm:s3], $0xF7A  }
0x26: {  	[smem:$0x3F95] =	sst s1;
	(tag) =	ssettag s2;
	_ =	strace s9  }
0x27: {  	s1 =	sld [smem:$0x3FA5]  }
0x28: {  	s2 =	sld [smem:$0x3FA6]  }
0x29: {  	s4 =	sld [smem:$0x3FA8]  }
0x2a: {  	p0 =	seq.s32 s5, $0x0;
	s5 =	sld [smem:$0x3FA9]  }
0x2b: {  	s6 =	sld [smem:$0x3FAA]  }
0x2c: {  	s7 =	sld [smem:$0x3FAB]  }
0x2d: {  	s3 =	simm.s32 $0x108;
	s8 =	sld [smem:$0x3FAC]  }
0x2e: {  	s3 =	simm.s32 @!p0 $0x1082;
	s9 =	sld [smem:$0x3FAD]  }
0x2f: {  	lr =	sadd.s32 s0, s3;
	s0 =	sld [smem:$0x3FA4]  }
0x30: {  	s3 =	sld [smem:$0x3FA7]  }
0x31: {  	[smem:$0x3FB0] =	sst s10  }
0x32: {  	s10 =	sld [smem:$0x3FAE];
	_ =	sdelay $0x3  }
0x33: {  	p0 =	seq.s32 s10, $0x1;
	s10 =	sld [smem:$0x3FB0];
	_ =	sdelay $0x3  }
0x34: {  	[smem:$0x3FB0] =	sst s10  }
0x35: {  	s10 =	sld [smem:$0x3FAF];
	_ =	sdelay $0x3  }
0x36: {  	p1 =	seq.s32 s10, $0x1;
	s10 =	sld [smem:$0x3FB0];
	_ =	sdelay $0x3  }
0x37: {  	[smem:$0x3FB0] =	sst s10  }
0x38: {  	s10 =	sld [smem:$0x3FB1]  }
0x39: {  	_ = 	snop;
	(pc) =	sbr.ind lr, $3  }
0x3a: {  	_ = 	snop  }
0x3b: {  	_ = 	snop  }
0x3c: {  	p2 =	seq.s32 s10, $0x1;
	s10 =	sld [smem:$0x3FB0]  }
0x3d: {  	_ =	shalt  }
0x3e: {  	_ =	shalt  }
0x3f: {  	_ =	shalt  }
0x40: {  	_ =	shalt  }
0x41: {  	_ =	shalt  }
0x42: {  	_ =	shalt  }
0x43: {  	_ =	shalt  }
0x44: {  	_ =	shalt  }
0x45: {  	_ =	shalt  }
0x46: {  	_ =	shalt  }
0x47: {  	_ =	shalt  }
0x48: {  	_ =	shalt  }
0x49: {  	_ =	shalt  }
0x4a: {  	_ =	shalt  }
0x4b: {  	_ =	shalt  }
0x4c: {  	_ =	shalt  }
0x4d: {  	_ =	shalt  }
0x4e: {  	_ =	shalt  }
0x4f: {  	_ =	shalt  }
0x50: {  	_ =	shalt  }
0x51: {  	_ =	shalt  }
0x52: {  	_ =	shalt  }
0x53: {  	_ =	shalt  }
0x54: {  	_ =	shalt  }
0x55: {  	_ =	shalt  }
0x56: {  	_ =	shalt  }
0x57: {  	_ =	shalt  }
0x58: {  	_ =	shalt  }
0x59: {  	_ =	shalt  }
0x5a: {  	_ =	shalt  }
0x5b: {  	_ =	shalt  }
0x5c: {  	_ =	shalt  }
0x5d: {  	_ =	shalt  }
0x5e: {  	_ =	shalt  }
0x5f: {  	_ =	shalt  }
0x60: {  	_ =	shalt  }
0x61: {  	_ =	shalt  }
0x62: {  	_ =	shalt  }
0x63: {  	_ =	shalt  }
0x64: {  	_ =	shalt  }
0x65: {  	_ =	shalt  }
0x66: {  	_ =	shalt  }
0x67: {  	_ =	shalt  }
0x68: {  	_ =	shalt  }
0x69: {  	_ =	shalt  }
0x6a: {  	_ =	shalt  }
0x6b: {  	_ =	shalt  }
0x6c: {  	_ =	shalt  }
0x6d: {  	_ =	shalt  }
0x6e: {  	_ =	shalt  }
0x6f: {  	_ =	shalt  }
0x70: {  	_ =	shalt  }
0x71: {  	_ =	shalt  }
0x72: {  	_ =	shalt  }
0x73: {  	_ =	shalt  }
0x74: {  	_ =	shalt  }
0x75: {  	_ =	shalt  }
0x76: {  	_ =	shalt  }
0x77: {  	_ =	shalt  }
0x78: {  	_ =	shalt  }
0x79: {  	_ =	shalt  }
0x7a: {  	_ =	shalt  }
0x7b: {  	_ =	shalt  }
0x7c: {  	_ =	shalt  }
0x7d: {  	_ =	shalt  }
0x7e: {  	_ =	shalt  }
0x7f: {  	_ =	shalt  }
0x80: {  	_ =	shalt  }
0x81: {  	_ =	shalt  }
0x82: {  	_ =	shalt  }
0x83: {  	_ =	shalt  }
0x84: {  	_ =	shalt  }
0x85: {  	_ =	shalt  }
0x86: {  	_ =	shalt  }
0x87: {  	_ =	shalt  }
.Lfunc_end0:
.L_simem_size_0:
called_computation_lowered:
.L_overlay_start_0:
0x88: {  	s2 =	sld [smem:$0x3FD9]  }
0x89: {  	s3 =	sld [smem:$0x3FFE];
	_ =	sdelay $0x1  }
0x8a: {  	s1 =	srdreg.scid  }
0x8b: {  	s0 =	sand.u32 $0x1, s1  }
0x8c: {  	s14 =	sshll.u32 s0, $0xA;
	s2 =	sadd.s32 s3, s2  }
0x8d: {  	s2 =	sadd.s32 s2, s14  }
0x8e: {  	[smem:$0x3FBC] =	sst s2  }
0x8f: {  	_ = 	snop  }
0x90: {  	s2 =	sld [smem:$0x3FD0];
	_ =	sdelay $0x2  }
0x91: {  	s4 =	simm.s32 $0xA;
	s5 =	simm.s32 $0x10;
	s15 =	sld [smem:$0x3FC6]  }
0x92: {  	[smem:s5], [sflag:s4] =	dma.local [hbm:s2], $0x1  }
0x93: {  	_ =	swait.eq [sflag:s4], $0x1  }
0x94: {  	[sflag:s4] =	ssyncset.done $0x0  }
0x95: {  	s16 =	sld [smem:$0x10];
	[sflag:s4] =	ssyncadd.s32 $0xFFFFFFFF  }
0x96: {  	s17 =	sld [smem:$0x11];
	(tm) =	ssettm $0x1  }
0x97: {  	s18 =	sld [smem:$0x3FFB];
	_ =	sdelay $0x3  }
0x98: {  	_ =	strace s18  }
0x99: {  	s5 =	sld [smem:$0x3FFC];
	_ =	sdelay $0x3  }
0x9a: {  	_ =	strace s5  }
0x9b: {  	s5 =	sld [smem:$0x3FFD];
	_ =	sdelay $0x3  }
0x9c: {  	_ =	strace s5  }
0x9d: {  	_ =	strace $0x8FFFFFFF  }
0x9e: {  	s19 =	sld [smem:$0x3FDB];
	_ =	sdelay $0x1  }
0x9f: {  	s6 =	simm.s32 $_scs_section_size  }
0xa0: {  	s7 =	simm.s32 $_size__tile_overlayer_lowered;
	s8 =	simm.s32 $_tile_overlayer_lowered  }
0xa1: {  	s22 =	simm.s32 $0x1BFF;
	s21 =	sshll.u32 s8, $0x1;
	s5 =	sadd.s32 s6, s19  }
0xa2: {  	s9 =	simm.s32 $0x0;
	s20 =	sshll.u32 s7, $0x1;
	s7 =	sadd.s32 s21, s5  }
0xa3: {  	[timem:s9], [sflag:s22] =	dma.local [hbm:s7], s20  }
0xa4: {  	_ =	swait.ge [sflag:s22], s20  }
0xa5: {  	s6 =	ssub.s32 $0x0, s20;
	[sflag:s22] =	ssyncset.done $0x0  }
0xa6: {  	[sflag:s22] =	ssyncadd.s32 s6;
	_ =	sdelay $0x1  }
0xa7: {  	s23 =	simm.s32 $0x1B8B  }
0xa8: {  	_ =	swait.ge [sflag:s23], $0x1  }
0xa9: {  	[sflag:s23] =	ssyncset.done $0x0  }
0xaa: {  	s25 =	simm.s32 $0x1B8E;
	s24 =	sld [smem:$0x3FFE];
	[sflag:s23] =	ssyncadd.s32 $0xFFFFFFFF  }
0xab: {  	s26 =	simm.s32 $execute0_lowered;
	[smem:$0x3FD2] =	sst s25  }
0xac: {  	s7 =	sshll.u32 s26, $0x1;
	_ =	strace $0x80000046;
	[dreg:$0x1] =	wrdreg $0xFFFFFFFF  }
0xad: {  	s28 =	simm.s32 $_size_execute0_lowered;
	s5 =	sadd.s32 s5, s7;
	[dreg:$0x0] =	wrdreg $0x0  }
0xae: {  	s7 =	sshll.u32 s28, $0x1;
	[dreg:$0x2] =	wrdreg s5  }
0xaf: {  	[dreg:$0x3] =	wrdreg s7  }
0xb0: {  	[dreg:$0x4] =	wrdreg $0xC0  }
0xb1: {  	_ =	task [dreg:s9], $0x5FFFF  }
0xb2: {  	[dreg:$0x1] =	wrdreg $0xFFFFFFFF  }
0xb3: {  	[dreg:$0x0] =	wrdreg $0x60  }
0xb4: {  	[dreg:$0x2] =	wrdreg s16  }
0xb5: {  	[dreg:$0x3] =	wrdreg s15  }
0xb6: {  	[dreg:$0x4] =	wrdreg s24  }
0xb7: {  	[dreg:$0x5] =	wrdreg s17  }
0xb8: {  	[dreg:$0x6] =	wrdreg $0x94000  }
0xb9: {  	[dreg:$0x7] =	wrdreg $0x9  }
0xba: {  	_ =	task.clear_ibuf [dreg:s9], $0x8FFFF;
	_ =	strace $0x90000046  }
0xbb: {  	s29 =	simm.s32 $0x9;
	_ =	strace $0x80000048  }
0xbc: {  	_ =	swait.ge [sflag:s29], $0x1  }
0xbd: {  	[sflag:s29] =	ssyncadd.s32 $0xFFFFFFFF  }
0xbe: {  	_ =	strace $0x90000048  }
0xbf: {  	_ =	sfence  }
0xc0: {  	s30 =	sld [smem:$0x0];
	_ =	sdelay $0x2  }
0xc1: {  	s31 =	sshll.u32 s1, $0xD;
	s1 =	sshrl.u32 s1, $0x2  }
0xc2: {  	s3 =	sand.u32 $0x4000, s31;
	s1 =	sadd.s32 s1, s30  }
0xc3: {  	s0 =	sor.u32 s3, s0;
	s1 =	sshll.u32 s1, $0x11  }
0xc4: {  	s0 =	sor.u32 s1, s0  }
0xc5: {  	s0 =	sadd.s32 $0x8F2B, s0  }
0xc6: {  	[sflag:s0] =	ssyncadd.remote.s32 $0x1  }
0xc7: {  	_ =	sfence.sel $0xFFFF  }
0xc8: {  	[dreg:$0x0] =	wrdreg $0xFFFFFFFF;
	(pc) =	sbr.abs _section_cstart, $3  }
0xc9: {  	[dreg:$0x1] =	wrdreg $0xFFFFFFFF  }
0xca: {  	_ =	task.clear_ibuf [dreg:s9], $0x2FFFF;
	_ =	strace $0x9FFFFFFF  }
0xcb: {  	(tm) =	ssettm $0x7FFFFFFF  }
tec
execute0_lowered:
.L_overlay_start_1:
0x0: {  	(tag) =	ssettag $0x1  }
0x1: {  	s1 =	rddreg [dreg:$0x0]  }
0x2: {  	s2 =	rddreg [dreg:$0x1]  }
0x3: {  	s5 =	rddreg [dreg:$0x2]  }
0x4: {  	s14 =	rddreg [dreg:$0x3]  }
0x5: {  	s3 =	rddreg [dreg:$0x4]  }
0x6: {  	s4 =	simm.s32 $0x0;
	s6 =	srdreg.scid;
	s25 =	stileid.u32  }
0x7: {  	s20 =	simm.s32 $0x1400;
	s21 =	simm.s32 $0x3;
	s22 =	simm.s32 $0x1  }
0x8: {  	s23 =	simm.s32 $0x2;
	s24 =	simm.s32 $0x80;
	[smem:$0x7FF] =	sst s4  }
0x9: {  	s7 =	sand.u32 $0x1, s6;
	s5 =	sadd.s32 $0x271800, s5;
	s9 =	smul.u32 $0x50000, s25  }
0xa: {  	s30 =	sshll.u32 s25, $0x1;
	s11 =	smul.u32 $0x280, s25;
	p0 =	sne.s32 s25, $0x0  }
0xb: {  	s25 =	simm.s32 $0x0;
	_ =	strace $0x80000047;
	s8 =	ssub.s32 $0x2, s7  }
0xc: {  	s6 =	sor.u32 s7, s30;
	s12 =	smul.u32 $0x2800, s7;
	s10 =	sshrl.u32 s8, $0x1  }
0xd: {  	s9 =	sshrl.u32 s9, $0x2;
	s31 =	sshll.u32 s6, $0xB;
	s19 =	sor.u32 $0x20, s6  }
0xe: {  	s10 =	ssub.s32 s8, s10;
	s7 =	sadd.s32 s9, s3;
	s12 =	sadd.s32 s12, s11  }
0xf: {  	s8 =	sadd.s32 s1, s31;
	s9 =	smax.u32 s10, $0x1;
	s15 =	sshll.u32 s12, $0x4  }
0x10: {  	s10 =	sadd.s32 $0x4000, s7;
	s11 =	sadd.s32 $0x8000, s7;
	s14 =	sadd.s32 s14, s15  }
0x11: {  	s12 =	sadd.s32 $0xC000, s7;
	s13 =	sadd.s32 $0x10000, s7;
	s15 =	sadd.s32 $0x800, s14  }
0x12: {  	s16 =	sadd.s32 $0x1000, s14;
	s17 =	sadd.s32 $0x1800, s14;
	s18 =	sadd.s32 $0x2000, s14  }
.LBB2_1:
0x13: {  	[tilespmem:s20], [sflag:$0x3] =	stream.linear.gather [hbm4b:s5+s4], $0x4000, $0x38;
	[tilespmem:$0x1D400] =	vst v63  }
0x14: {  	_ =	swait.ge [sflag:s21], $0x4000  }
0x15: {  	[sflag:s21] =	ssyncset.done $0x0  }
0x16: {  	[sflag:s21] =	ssyncadd.s32 $0xFFFFC000  }
0x17: {  	[spmem:s7] =	stream.linear.scatter [tilespmem:s20], [sflag:$0x3], $0x4000, $0x38;
	[tilespmem:$0x1D400] =	vst v63  }
0x18: {  	_ =	swait.ge [sflag:s21], $0x4000  }
0x19: {  	[sflag:s21] =	ssyncset.done $0x0  }
0x1a: {  	[sflag:s21] =	ssyncadd.s32 $0xFFFFC000  }
0x1b: {  	[spmem:s10] =	stream.linear.scatter [tilespmem:s20], [sflag:$0x3], $0x4000, $0x38;
	[tilespmem:$0x1D400] =	vst v63  }
0x1c: {  	_ =	swait.ge [sflag:s21], $0x4000  }
0x1d: {  	[sflag:s21] =	ssyncset.done $0x0  }
0x1e: {  	[sflag:s21] =	ssyncadd.s32 $0xFFFFC000  }
0x1f: {  	[spmem:s11] =	stream.linear.scatter [tilespmem:s20], [sflag:$0x3], $0x4000, $0x38;
	[tilespmem:$0x1D400] =	vst v63  }
0x20: {  	_ =	swait.ge [sflag:s21], $0x4000  }
0x21: {  	[sflag:s21] =	ssyncset.done $0x0  }
0x22: {  	[sflag:s21] =	ssyncadd.s32 $0xFFFFC000  }
0x23: {  	[spmem:s12] =	stream.linear.scatter [tilespmem:s20], [sflag:$0x3], $0x4000, $0x38;
	[tilespmem:$0x1D400] =	vst v63  }
0x24: {  	_ =	swait.ge [sflag:s21], $0x4000  }
0x25: {  	s26 =	sadd.s32 $0x0, s6;
	[sflag:s21] =	ssyncset.done $0x0  }
0x26: {  	p1 =	slt.s32 s26, $0x4E1;
	[sflag:s21] =	ssyncadd.s32 $0xFFFFC000  }
0x27: {  	[spmem:s13] =	stream.linear.scatter [tilespmem:s20], [sflag:$0x3], $0x4000, $0x38;
	[tilespmem:$0x1D400] =	vst v63  }
0x28: {  	s26 =	simm.s32 @!p1 $0x4E1;
	_ =	swait.ge [sflag:s21], $0x4000  }
0x29: {  	s26 =	sshll.u32 s26, $0x4;
	[sflag:s21] =	ssyncset.done $0x0  }
0x2a: {  	s26 =	sadd.s32 s2, s26;
	[sflag:s21] =	ssyncadd.s32 $0xFFFFC000  }
0x2b: {  	[tilespmem:s4], [sflag:$0x1] =	stream.linear.gather [hbm4b:s26+s4], $0x80, $0x38;
	[tilespmem:$0x1D400] =	vst v63  }
0x2c: {  	s28 =	simm.s32 $0x0;
	s26 =	simm.s32 $0x20  }
.LBB2_2:
0x2d: {  	s29 =	sadd.s32 s26, s6;
	p1 =	sne.s32 s26, $0x4E0;
	s26 =	sadd.s32 $0x20, s26  }
.Ltmp0:
0x2e: {  	p2 =	slt.s32 s29, $0x4E1;
	(pc) =	sbr.rel @p1 .LBB2_2-.Ltmp0, $4  }
0x2f: {  	s29 =	simm.s32 @!p2 $0x4E1  }
0x30: {  	s29 =	sshll.u32 s29, $0x4  }
0x31: {  	s28 =	sadd.s32 $0x80, s28;
	s29 =	sadd.s32 s2, s29  }
0x32: {  	[tilespmem:s28], [sflag:$0x1] =	stream.linear.gather [hbm4b:s29+s4], $0x80, $0x38;
	[tilespmem:$0x1D400] =	vst v63  }
0x33: {  	_ =	swait.ge [sflag:s22], $0x80  }
0x34: {  	s26 =	simm.s32 $0x27;
	[sflag:s22] =	ssyncset.done $0x0  }
.LBB2_4:
0x35: {  	p1 =	sne.s32 s26, $0x1;
	s26 =	sadd.s32 $0xFFFFFFFF, s26;
	[sflag:s22] =	ssyncadd.s32 $0xFFFFFF80  }
.Ltmp1:
0x36: {  	(pc) =	sbr.rel @p1 .LBB2_4-.Ltmp1, $3  }
0x37: {  	_ =	sdelay $0x1  }
0x38: {  	_ =	swait.ge [sflag:s22], $0x80  }
0x39: {  	[sflag:s22] =	ssyncset.done $0x0  }
0x3a: {  	[sflag:s22] =	ssyncadd.s32 $0xFFFFFF80;
	s26 =	simm.s32 $0x0;
	s28 =	simm.s32 $0x4000  }
0x3b: {  	p1 =	slt.s32 s19, $0x4E1;
	s29 =	smov.u32 s19;
	[bflag:$0x0] =	sbarrier.arrive $0xFFFF  }
0x3c: {  	[tilespmem:s20], [sflag:$0x2] =	stream.linear.gather [hbm4b:s8+s26], $0x4000, $0x38;
	[tilespmem:$0x1D400] =	vst v63  }
0x3d: {  	s30 =	simm.s32 $0x0;
	s29 =	simm.s32 @!p1 $0x4E1;
	_ =	swait.ge [sflag:s23], $0x4000  }
0x3e: {  	s28 =	sand.u32 $0x4000, s28;
	s29 =	sshll.u32 s29, $0xB;
	[sflag:s23] =	ssyncset.done $0x0  }
0x3f: {  	s28 =	sor.u32 $0x1400, s28;
	s29 =	sadd.s32 s1, s29;
	[sflag:s23] =	ssyncadd.s32 $0xFFFFC000  }
0x40: {  	[tilespmem:s28], [sflag:$0x2] =	stream.linear.gather [hbm4b:s29+s4], $0x4000, $0x38;
	[tilespmem:$0x1D400] =	vst v63  }
0x41: {  	s28 =	sand.u32 $0x4000, s30  }
0x42: {  	s28 =	sor.u32 $0x1400, s28  }
0x43: {  	[spmem:s3] =	stream.indirect.scatter.add.f32 [tilespmem:s28], [sflag:$0x3], $0x80, s26, s24, $0xb8;
	[tilespmem:$0x1D400] =	vst v63  }
0x44: {  	s29 =	smov.u32 s19;
	s28 =	simm.s32 $0x8000;
	_ =	swait.ge [sflag:s21], $0x4000  }
.LBB2_6:
0x45: {  	[sflag:s21] =	ssyncset.done $0x0  }
0x46: {  	s26 =	sadd.s32 $0x80, s26;
	s29 =	sadd.s32 $0x20, s29;
	p1 =	sne.s32 s28, $0x9C000  }
0x47: {  	p2 =	slt.s32 s29, $0x4E1;
	[sflag:s21] =	ssyncadd.s32 $0xFFFFC000;
	s31 =	smov.u32 s29  }
0x48: {  	s30 =	sadd.s32 $0xFFFFC000, s28;
	_ =	swait.ge [sflag:s23], $0x4000;
	s31 =	simm.s32 @!p2 $0x4E1  }
0x49: {  	s0 =	sand.u32 $0x4000, s28;
	[sflag:s23] =	ssyncset.done $0x0;
	s31 =	sshll.u32 s31, $0xB  }
0x4a: {  	s0 =	sor.u32 $0x1400, s0;
	[sflag:s23] =	ssyncadd.s32 $0xFFFFC000;
	s31 =	sadd.s32 s1, s31  }
0x4b: {  	[tilespmem:s0], [sflag:$0x2] =	stream.linear.gather [hbm4b:s31+s4], $0x4000, $0x38;
	[tilespmem:$0x1D400] =	vst v63  }
.Ltmp2:
0x4c: {  	_ = 	snop;
	(pc) =	sbr.rel @p1 .LBB2_6-.Ltmp2, $4  }
0x4d: {  	s28 =	sadd.s32 $0x4000, s28;
	s0 =	sand.u32 $0x4000, s30  }
0x4e: {  	s0 =	sor.u32 $0x1400, s0  }
0x4f: {  	[spmem:s3] =	stream.indirect.scatter.add.f32 [tilespmem:s0], [sflag:$0x3], $0x80, s26, s24, $0xb8;
	[tilespmem:$0x1D400] =	vst v63  }
0x50: {  	_ =	swait.ge [sflag:s21], $0x4000  }
0x51: {  	[sflag:s21] =	ssyncset.done $0x0  }
0x52: {  	[sflag:s21] =	ssyncadd.s32 $0xFFFFC000  }
0x53: {  	_ =	swait.ge [sflag:s23], $0x4000  }
0x54: {  	s0 =	simm.s32 @!p0 $0x80;
	[sflag:s23] =	ssyncset.done $0x0  }
0x55: {  	s26 =	simm.s32 @!p0 $0x1380;
	s28 =	simm.s32 @!p0 $0x5400;
	[sflag:s23] =	ssyncadd.s32 $0xFFFFC000  }
0x56: {  	[spmem:s3] =	stream.indirect.scatter.add.f32 @!p0 [tilespmem:s28], [sflag:$0x3], $0x80, s26, s0, $0xb8;
	[tilespmem:$0x1D400] =	vst v63  }
0x57: {  	s0 =	simm.s32 @!p0 $0x3  }
0x58: {  	_ =	swait.ge @!p0 [sflag:s0], $0x4000  }
0x59: {  	[sflag:s0] =	ssyncset.done @!p0 $0x0  }
0x5a: {  	[sflag:s0] =	ssyncadd.s32 @!p0 $0xFFFFC000  }
0x5b: {  	[bflag:$0x0] =	sbarrier.arrive $0xFFFF  }
0x5c: {  	[tilespmem:s20], [sflag:$0x3] =	stream.linear.gather [spmem:s7], $0x4000, $0x38;
	[tilespmem:$0x1D400] =	vst v63  }
0x5d: {  	_ =	swait.ge [sflag:s21], $0x4000  }
0x5e: {  	[sflag:s21] =	ssyncset.done $0x0  }
0x5f: {  	[sflag:s21] =	ssyncadd.s32 $0xFFFFC000  }
0x60: {  	[hbm4b:s14+s4] =	stream.linear.scatter [tilespmem:s20], [sflag:$0x3], $0x4000, $0x38;
	[tilespmem:$0x1D400] =	vst v63  }
0x61: {  	_ =	swait.ge [sflag:s21], $0x4000  }
0x62: {  	[sflag:s21] =	ssyncset.done $0x0  }
0x63: {  	[sflag:s21] =	ssyncadd.s32 $0xFFFFC000  }
0x64: {  	[tilespmem:s20], [sflag:$0x3] =	stream.linear.gather [spmem:s10], $0x4000, $0x38;
	[tilespmem:$0x1D400] =	vst v63  }
0x65: {  	_ =	swait.ge [sflag:s21], $0x4000  }
0x66: {  	[sflag:s21] =	ssyncset.done $0x0  }
0x67: {  	[sflag:s21] =	ssyncadd.s32 $0xFFFFC000  }
0x68: {  	[hbm4b:s15+s4] =	stream.linear.scatter [tilespmem:s20], [sflag:$0x3], $0x4000, $0x38;
	[tilespmem:$0x1D400] =	vst v63  }
0x69: {  	_ =	swait.ge [sflag:s21], $0x4000  }
0x6a: {  	[sflag:s21] =	ssyncset.done $0x0  }
0x6b: {  	[sflag:s21] =	ssyncadd.s32 $0xFFFFC000  }
0x6c: {  	[tilespmem:s20], [sflag:$0x3] =	stream.linear.gather [spmem:s11], $0x4000, $0x38;
	[tilespmem:$0x1D400] =	vst v63  }
0x6d: {  	_ =	swait.ge [sflag:s21], $0x4000  }
0x6e: {  	[sflag:s21] =	ssyncset.done $0x0  }
0x6f: {  	[sflag:s21] =	ssyncadd.s32 $0xFFFFC000  }
0x70: {  	[hbm4b:s16+s4] =	stream.linear.scatter [tilespmem:s20], [sflag:$0x3], $0x4000, $0x38;
	[tilespmem:$0x1D400] =	vst v63  }
0x71: {  	_ =	swait.ge [sflag:s21], $0x4000  }
0x72: {  	[sflag:s21] =	ssyncset.done $0x0  }
0x73: {  	[sflag:s21] =	ssyncadd.s32 $0xFFFFC000  }
0x74: {  	[tilespmem:s20], [sflag:$0x3] =	stream.linear.gather [spmem:s12], $0x4000, $0x38;
	[tilespmem:$0x1D400] =	vst v63  }
0x75: {  	_ =	swait.ge [sflag:s21], $0x4000  }
0x76: {  	[sflag:s21] =	ssyncset.done $0x0  }
0x77: {  	[sflag:s21] =	ssyncadd.s32 $0xFFFFC000  }
0x78: {  	[hbm4b:s17+s4] =	stream.linear.scatter [tilespmem:s20], [sflag:$0x3], $0x4000, $0x38;
	[tilespmem:$0x1D400] =	vst v63  }
0x79: {  	_ =	swait.ge [sflag:s21], $0x4000  }
0x7a: {  	[sflag:s21] =	ssyncset.done $0x0  }
0x7b: {  	[sflag:s21] =	ssyncadd.s32 $0xFFFFC000  }
0x7c: {  	[tilespmem:s20], [sflag:$0x3] =	stream.linear.gather [spmem:s13], $0x4000, $0x38;
	[tilespmem:$0x1D400] =	vst v63  }
0x7d: {  	s25 =	sadd.s32 $0x1, s25;
	_ =	swait.ge [sflag:s21], $0x4000  }
0x7e: {  	p1 =	sne.s32 s25, s9;
	[sflag:s21] =	ssyncset.done $0x0  }
.Ltmp3:
0x7f: {  	[sflag:s21] =	ssyncadd.s32 $0xFFFFC000;
	(pc) =	sbr.rel @p1 .LBB2_1-.Ltmp3, $4  }
0x80: {  	[hbm4b:s18+s4] =	stream.linear.scatter [tilespmem:s20], [sflag:$0x3], $0x4000, $0x38;
	[tilespmem:$0x1D400] =	vst v63  }
0x81: {  	_ =	swait.ge [sflag:s21], $0x4000  }
0x82: {  	[sflag:s21] =	ssyncset.done $0x0  }
0x83: {  	[sflag:s21] =	ssyncadd.s32 $0xFFFFC000  }
0x84: {  	_ =	sfence.sel $0x180000  }
0x85: {  	[bflag:$0x0] =	sbarrier.arrive $0xFFFF  }
0x86: {  	_ =	strace $0x90000047  }
0x87: {  	[bflag:$0x2] =	sbarrier.arrive $0xFFFF  }
0x88: {  	s0 =	rddreg [dreg:$0x5]  }
0x89: {  	s0 =	sadd.s32 @!p0 $0x100000, s0  }
0x8a: {  	[sflag:s0] =	ssyncadd.tile.s32 @!p0 $0x1;
	_ =	shalt  }
.Lfunc_end2:
_tile_overlayer_lowered:
.L_overlay_start_2:
0x8b: {  	(tag) =	ssettag $0x2  }
0x8c: {  	s0 =	rddreg [dreg:$0x0];
	s2 =	stileid.u32  }
0x8d: {  	s1 =	rddreg [dreg:$0x1];
	p0 =	sne.s32 s2, $0x0  }
0x8e: {  	s3 =	rddreg [dreg:$0x2];
	[bflag:$0x3] =	sbarrier.arrive $0xFFFF;
	s2 =	simm.s32 @!p0 $0x1C03  }
0x8f: {  	[timem:s3], [sflag:s2] =	dma.local @!p0 [hbm:s0], s1  }
0x90: {  	s0 =	simm.s32 @!p0 $0x3  }
0x91: {  	_ =	swait.ge @!p0 [sflag:s0], s1  }
0x92: {  	s1 =	ssub.s32 @!p0 $0x0, s1;
	[sflag:s0] =	ssyncset.done @!p0 $0x0  }
0x93: {  	[sflag:s0] =	ssyncadd.s32 @!p0 s1  }
0x94: {  	[bflag:$0x3] =	sbarrier.arrive $0xFFFF  }
0x95: {  	_ =	shalt  }

</sc_bundles>
